<compile_context>
chip_gen: v7x
topology: tpu7x:2x2x1
jax: 0.10.2.dev20260603
libtpu: 0.0.44.dev20260713+nightly
codegen_flags: <defaults>
</compile_context>

<pallas_src>
import functools

import jax
import jax.numpy as jnp
from jax.experimental import pallas as pl
from jax.experimental.pallas import tpu as pltpu

_A = 128
_S = 8
_SB = 2048


def _mm_body(mt_ref, bs_ref, xs_ref, mk_ref, *rest):
    q_refs = rest[:_S]
    p_ref = rest[_S]
    A, C = xs_ref.shape
    x = xs_ref[...]
    accs = []
    for s in range(_S):
        xm = x * mk_ref[0, :, s:s + 1]
        accs.append(jax.lax.dot_general(
            xm, q_refs[s][0], (((1,), (0,)), ((), ())),
            precision=jax.lax.Precision.HIGHEST,
            preferred_element_type=jnp.float32))
    while len(accs) > 1:
        accs = [a + b for a, b in zip(accs[::2], accs[1::2])]
    union = mk_ref[0, :, _S:_S + 1] > 0.0
    p_ref[...] = jnp.where(union, accs[0], p_ref[...])


def _sample_body(p_ref, g_ref, o_ref):
    B, C = p_ref.shape
    p = p_ref[...]
    ssum = jnp.sum(p, axis=-1, keepdims=True)
    logit = jnp.log(jnp.maximum(p / ssum, 1e-30)) + g_ref[...]
    mx = jnp.max(logit, axis=-1, keepdims=True)
    iot = jax.lax.broadcasted_iota(jnp.int32, (B, C), 1)
    idx = jnp.min(jnp.where(logit == mx, iot, C), axis=-1, keepdims=True)
    o_ref[...] = (iot == idx).astype(jnp.float32)


def kernel(x0_batch, time_batch, accumulated_q_matrices):
    N, C = x0_batch.shape
    TQ = accumulated_q_matrices.shape[0]
    A, S = _A, _S
    NB = N // A
    MCAP = TQ + NB
    GCAP = NB + (MCAP + S - 1) // S

    t = time_batch.astype(jnp.int32)
    iota0 = jnp.arange(N, dtype=jnp.int32)
    packed = jnp.sort(t * N + iota0)
    order = packed % N
    ts = packed // N
    xs = x0_batch[order]

    iota = jnp.arange(N, dtype=jnp.int32)
    new_t = jnp.concatenate(
        [jnp.ones((1,), jnp.bool_), ts[1:] != ts[:-1]])
    seg_begin = new_t | ((iota % A) == 0)
    start_rows = jnp.nonzero(seg_begin, size=MCAP, fill_value=N)[0].astype(jnp.int32)
    valid = start_rows < N
    nxt = jnp.concatenate([start_rows[1:], jnp.full((1,), N, jnp.int32)])
    end_rows = jnp.where(valid, nxt, N)
    seg_t = ts[jnp.clip(start_rows, 0, N - 1)]
    blk = jnp.clip(start_rows // A, 0, NB - 1)
    first_m = jnp.searchsorted(
        start_rows, jnp.arange(NB, dtype=jnp.int32) * A).astype(jnp.int32)
    mtot = jnp.sum(seg_begin.astype(jnp.int32))
    first_ext = jnp.concatenate([first_m, mtot[None]])
    count = first_ext[1:] - first_ext[:-1]
    steps_b = (count + S - 1) // S
    step_off = jnp.concatenate(
        [jnp.zeros((1,), jnp.int32), jnp.cumsum(steps_b, dtype=jnp.int32)])
    m_idx = jnp.arange(MCAP, dtype=jnp.int32)
    pos = m_idx - first_m[blk]
    gstep = step_off[blk] + pos // S
    slot = pos % S
    flat = jnp.where(valid, gstep * S + slot, GCAP * S)
    meta_start = jnp.full((GCAP * S,), A, jnp.int32).at[flat].set(
        start_rows - blk * A, mode='drop')
    meta_end = jnp.zeros((GCAP * S,), jnp.int32).at[flat].set(
        end_rows - blk * A, mode='drop')
    mt = jnp.full((GCAP * S,), -1, jnp.int32).at[flat].set(
        seg_t, mode='drop').reshape(GCAP, S)
    gi = jnp.arange(GCAP, dtype=jnp.int32)[:, None]
    last = jax.lax.cummax(jnp.where(mt >= 0, gi, -1), axis=0)
    mt_ff = jnp.take_along_axis(mt, jnp.clip(last, 0, None), axis=0)
    meta_time = jnp.clip(mt_ff, 0, TQ - 1).reshape(-1)
    blk_step = jnp.full((GCAP,), NB - 1, jnp.int32).at[
        jnp.where(valid, gstep, GCAP)].set(blk, mode='drop')

    rr = jnp.arange(A, dtype=jnp.int32).reshape(1, A, 1)
    ms3 = meta_start.reshape(GCAP, 1, S)
    me3 = meta_end.reshape(GCAP, 1, S)
    m3 = ((rr >= ms3) & (rr < me3)).astype(jnp.float32)
    union3 = jnp.sum(m3, axis=-1, keepdims=True)
    masks = jnp.concatenate(
        [m3, union3, jnp.zeros((GCAP, A, 16 - S - 1), jnp.float32)], axis=-1)

    q_specs = [
        pl.BlockSpec((1, C, C), functools.partial(
            lambda i, mt_, bs, s: (mt_[i * S + s], 0, 0), s=s))
        for s in range(S)
    ]
    grid_spec = pltpu.PrefetchScalarGridSpec(
        num_scalar_prefetch=2,
        grid=(GCAP,),
        in_specs=[
            pl.BlockSpec((A, C), lambda i, mt_, bs: (bs[i], 0)),
            pl.BlockSpec((1, A, 16), lambda i, mt_, bs: (i, 0, 0)),
            *q_specs,
        ],
        out_specs=[
            pl.BlockSpec((A, C), lambda i, mt_, bs: (bs[i], 0)),
        ],
    )
    ps, = pl.pallas_call(
        _mm_body,
        grid_spec=grid_spec,
        out_shape=[jax.ShapeDtypeStruct((N, C), jnp.float32)],
    )(meta_time, blk_step, xs, masks, *([accumulated_q_matrices] * S))

    inv = jnp.zeros((N,), jnp.int32).at[order].set(iota)
    probs = ps[inv]

    gum = jax.random.gumbel(jax.random.key(1), (N, C), jnp.float32)
    noised = pl.pallas_call(
        _sample_body,
        grid=(N // _SB,),
        in_specs=[
            pl.BlockSpec((_SB, C), lambda i: (i, 0)),
            pl.BlockSpec((_SB, C), lambda i: (i, 0)),
        ],
        out_specs=pl.BlockSpec((_SB, C), lambda i: (i, 0)),
        out_shape=jax.ShapeDtypeStruct((N, C), jnp.float32),
    )(probs, gum)
    return probs, noised

# --- scband reference (transcript-rebuilt; emitter-appended) ---
"""Pipeline reference for scband-discrete-space-noiser-8169027797464 (READ-ONLY COPY).

The authoritative reference and input builder live on the scoring server;
editing this copy changes nothing except your own understanding.
"""

import jax, jax.numpy as jnp
import numpy as np

N = 16384
C = 100
T = 1000


def setup_inputs(seed: int = 0) -> dict:
    key = jax.random.key(seed)
    k1, k2, k3 = jax.random.split(key, 3)
    # x0_batch: treated as (soft) one-hot state vectors; rand fill per spec
    x0_batch = jax.random.uniform(k1, (N, C), dtype=jnp.float32)
    # time indices into the accumulated Q matrix table [0, T]
    time_batch = jax.random.randint(k2, (N,), 0, T + 1, dtype=jnp.int64)
    # precomputed accumulated transition matrices (constructor arg / buffer)
    Q = jax.random.uniform(k3, (T + 1, C, C), dtype=jnp.float32)
    Q = Q / jnp.sum(Q, axis=-1, keepdims=True)  # row-stochastic
    return {"x0_batch": x0_batch, "time_batch": time_batch, "accumulated_q_matrices": Q}


def reference(x0_batch, time_batch, accumulated_q_matrices):
    # noise_x0_xt: get_accum_transition_probabilities + sample_transition
    # Q_accum_t = self.accumulated_q_matrices[time_batch]
    Q_accum_t = jnp.take(accumulated_q_matrices, time_batch, axis=0)  # [N, C, C]
    # probs = torch.bmm(x0.unsqueeze(1), Q_accum_t).squeeze()
    probs = jnp.matmul(x0_batch[:, None, :], Q_accum_t)[:, 0, :]  # [N, C]
    # Categorical(probs).sample() -> one_hot
    probs_norm = probs / jnp.sum(probs, axis=-1, keepdims=True)
    logits = jnp.log(jnp.clip(probs_norm, 1e-30, None))
    samples = jax.random.categorical(jax.random.key(1), logits, axis=-1)  # [N]
    noised_x = jax.nn.one_hot(samples, C, dtype=jnp.float32)  # [N, C]
    return probs, noised_x

if __name__ == "__main__":
    import jax
    _d = setup_inputs()
    print(jax.jit(kernel)(*tuple(_d.values())))

</pallas_src>

<mosaic_0001>
module attributes {stable_mosaic.version = 14 : i64} {
  func.func @_mm_body(%arg0: i32, %arg1: memref<2160xi32, #tpu.memory_space<smem>>, %arg2: memref<270xi32, #tpu.memory_space<smem>>, %arg3: memref<128x100xf32, #tpu.memory_space<vmem>>, %arg4: memref<1x128x16xf32, #tpu.memory_space<vmem>>, %arg5: memref<1x100x100xf32, #tpu.memory_space<vmem>>, %arg6: memref<1x100x100xf32, #tpu.memory_space<vmem>>, %arg7: memref<1x100x100xf32, #tpu.memory_space<vmem>>, %arg8: memref<1x100x100xf32, #tpu.memory_space<vmem>>, %arg9: memref<1x100x100xf32, #tpu.memory_space<vmem>>, %arg10: memref<1x100x100xf32, #tpu.memory_space<vmem>>, %arg11: memref<1x100x100xf32, #tpu.memory_space<vmem>>, %arg12: memref<1x100x100xf32, #tpu.memory_space<vmem>>, %arg13: memref<128x100xf32, #tpu.memory_space<vmem>>) attributes {dimension_semantics = [#tpu.dimension_semantics<arbitrary>], iteration_bounds = array<i64: 270>, scalar_prefetch = 2 : i64, scratch_operands = 0 : i64, tpu.core_type = #tpu.core_type<tc>, window_params = [{transform_indices = @transform_0, window_bounds = array<i64: 128, 100>}, {transform_indices = @transform_1, window_bounds = array<i64: 1, 128, 16>}, {transform_indices = @transform_2, window_bounds = array<i64: 1, 100, 100>}, {transform_indices = @transform_3, window_bounds = array<i64: 1, 100, 100>}, {transform_indices = @transform_4, window_bounds = array<i64: 1, 100, 100>}, {transform_indices = @transform_5, window_bounds = array<i64: 1, 100, 100>}, {transform_indices = @transform_6, window_bounds = array<i64: 1, 100, 100>}, {transform_indices = @transform_7, window_bounds = array<i64: 1, 100, 100>}, {transform_indices = @transform_8, window_bounds = array<i64: 1, 100, 100>}, {transform_indices = @transform_9, window_bounds = array<i64: 1, 100, 100>}, {transform_indices = @transform_10, window_bounds = array<i64: 128, 100>}]} {
    %get3A = arith.constant 0 : index
    %get3A_0 = arith.constant 0 : index
    %get3A_1 = vector.load %arg3[%get3A, %get3A_0] : memref<128x100xf32, #tpu.memory_space<vmem>>, vector<128x100xf32>
    %get3A_2 = arith.constant 0 : index
    %get3A_3 = arith.constant 0 : index
    %get3A_4 = arith.constant 0 : index
    %get3A_5 = vector.load %arg4[%get3A_2, %get3A_3, %get3A_4] : memref<1x128x16xf32, #tpu.memory_space<vmem>>, vector<1x128x1xf32>
    %get3A_6 = vector.shape_cast %get3A_5 : vector<1x128x1xf32> to vector<128x1xf32>
    %mul3A = vector.broadcast %get3A_6 : vector<128x1xf32> to vector<128x100xf32>
    %mul3A_7 = arith.mulf %get3A_1, %mul3A : vector<128x100xf32>
    %get3A_8 = arith.constant 0 : index
    %get3A_9 = arith.constant 0 : index
    %get3A_10 = arith.constant 0 : index
    %get3A_11 = vector.load %arg5[%get3A_8, %get3A_9, %get3A_10] : memref<1x100x100xf32, #tpu.memory_space<vmem>>, vector<1x100x100xf32>
    %get3A_12 = vector.shape_cast %get3A_11 : vector<1x100x100xf32> to vector<100x100xf32>
    %dot_general3A = arith.constant dense<0.000000e+00> : vector<128x100xf32>
    %dot_general3A_13 = tpu.matmul %mul3A_7, %get3A_12, %dot_general3A {dimension_numbers = #tpu.dot_dimension_numbers<[1], [0], [0], [1], [0, 0, 1, 1], [], []>, precision = #tpu.contract_precision<fp32>, transpose_lhs_hint = false} : vector<128x100xf32>, vector<100x100xf32>, vector<128x100xf32> -> vector<128x100xf32>
    %get3A_14 = arith.constant 0 : index
    %get3A_15 = arith.constant 0 : index
    %get3A_16 = arith.constant 1 : index
    %get3A_17 = vector.load %arg4[%get3A_14, %get3A_15, %get3A_16] : memref<1x128x16xf32, #tpu.memory_space<vmem>>, vector<1x128x1xf32>
    %get3A_18 = vector.shape_cast %get3A_17 : vector<1x128x1xf32> to vector<128x1xf32>
    %mul3A_19 = vector.broadcast %get3A_18 : vector<128x1xf32> to vector<128x100xf32>
    %mul3A_20 = arith.mulf %get3A_1, %mul3A_19 : vector<128x100xf32>
    %get3A_21 = arith.constant 0 : index
    %get3A_22 = arith.constant 0 : index
    %get3A_23 = arith.constant 0 : index
    %get3A_24 = vector.load %arg6[%get3A_21, %get3A_22, %get3A_23] : memref<1x100x100xf32, #tpu.memory_space<vmem>>, vector<1x100x100xf32>
    %get3A_25 = vector.shape_cast %get3A_24 : vector<1x100x100xf32> to vector<100x100xf32>
    %dot_general3A_26 = arith.constant dense<0.000000e+00> : vector<128x100xf32>
    %dot_general3A_27 = tpu.matmul %mul3A_20, %get3A_25, %dot_general3A_26 {dimension_numbers = #tpu.dot_dimension_numbers<[1], [0], [0], [1], [0, 0, 1, 1], [], []>, precision = #tpu.contract_precision<fp32>, transpose_lhs_hint = false} : vector<128x100xf32>, vector<100x100xf32>, vector<128x100xf32> -> vector<128x100xf32>
    %get3A_28 = arith.constant 0 : index
    %get3A_29 = arith.constant 0 : index
    %get3A_30 = arith.constant 2 : index
    %get3A_31 = vector.load %arg4[%get3A_28, %get3A_29, %get3A_30] : memref<1x128x16xf32, #tpu.memory_space<vmem>>, vector<1x128x1xf32>
    %get3A_32 = vector.shape_cast %get3A_31 : vector<1x128x1xf32> to vector<128x1xf32>
    %mul3A_33 = vector.broadcast %get3A_32 : vector<128x1xf32> to vector<128x100xf32>
    %mul3A_34 = arith.mulf %get3A_1, %mul3A_33 : vector<128x100xf32>
    %get3A_35 = arith.constant 0 : index
    %get3A_36 = arith.constant 0 : index
    %get3A_37 = arith.constant 0 : index
    %get3A_38 = vector.load %arg7[%get3A_35, %get3A_36, %get3A_37] : memref<1x100x100xf32, #tpu.memory_space<vmem>>, vector<1x100x100xf32>
    %get3A_39 = vector.shape_cast %get3A_38 : vector<1x100x100xf32> to vector<100x100xf32>
    %dot_general3A_40 = arith.constant dense<0.000000e+00> : vector<128x100xf32>
    %dot_general3A_41 = tpu.matmul %mul3A_34, %get3A_39, %dot_general3A_40 {dimension_numbers = #tpu.dot_dimension_numbers<[1], [0], [0], [1], [0, 0, 1, 1], [], []>, precision = #tpu.contract_precision<fp32>, transpose_lhs_hint = false} : vector<128x100xf32>, vector<100x100xf32>, vector<128x100xf32> -> vector<128x100xf32>
    %get3A_42 = arith.constant 0 : index
    %get3A_43 = arith.constant 0 : index
    %get3A_44 = arith.constant 3 : index
    %get3A_45 = vector.load %arg4[%get3A_42, %get3A_43, %get3A_44] : memref<1x128x16xf32, #tpu.memory_space<vmem>>, vector<1x128x1xf32>
    %get3A_46 = vector.shape_cast %get3A_45 : vector<1x128x1xf32> to vector<128x1xf32>
    %mul3A_47 = vector.broadcast %get3A_46 : vector<128x1xf32> to vector<128x100xf32>
    %mul3A_48 = arith.mulf %get3A_1, %mul3A_47 : vector<128x100xf32>
    %get3A_49 = arith.constant 0 : index
    %get3A_50 = arith.constant 0 : index
    %get3A_51 = arith.constant 0 : index
    %get3A_52 = vector.load %arg8[%get3A_49, %get3A_50, %get3A_51] : memref<1x100x100xf32, #tpu.memory_space<vmem>>, vector<1x100x100xf32>
    %get3A_53 = vector.shape_cast %get3A_52 : vector<1x100x100xf32> to vector<100x100xf32>
    %dot_general3A_54 = arith.constant dense<0.000000e+00> : vector<128x100xf32>
    %dot_general3A_55 = tpu.matmul %mul3A_48, %get3A_53, %dot_general3A_54 {dimension_numbers = #tpu.dot_dimension_numbers<[1], [0], [0], [1], [0, 0, 1, 1], [], []>, precision = #tpu.contract_precision<fp32>, transpose_lhs_hint = false} : vector<128x100xf32>, vector<100x100xf32>, vector<128x100xf32> -> vector<128x100xf32>
    %get3A_56 = arith.constant 0 : index
    %get3A_57 = arith.constant 0 : index
    %get3A_58 = arith.constant 4 : index
    %get3A_59 = vector.load %arg4[%get3A_56, %get3A_57, %get3A_58] : memref<1x128x16xf32, #tpu.memory_space<vmem>>, vector<1x128x1xf32>
    %get3A_60 = vector.shape_cast %get3A_59 : vector<1x128x1xf32> to vector<128x1xf32>
    %mul3A_61 = vector.broadcast %get3A_60 : vector<128x1xf32> to vector<128x100xf32>
    %mul3A_62 = arith.mulf %get3A_1, %mul3A_61 : vector<128x100xf32>
    %get3A_63 = arith.constant 0 : index
    %get3A_64 = arith.constant 0 : index
    %get3A_65 = arith.constant 0 : index
    %get3A_66 = vector.load %arg9[%get3A_63, %get3A_64, %get3A_65] : memref<1x100x100xf32, #tpu.memory_space<vmem>>, vector<1x100x100xf32>
    %get3A_67 = vector.shape_cast %get3A_66 : vector<1x100x100xf32> to vector<100x100xf32>
    %dot_general3A_68 = arith.constant dense<0.000000e+00> : vector<128x100xf32>
    %dot_general3A_69 = tpu.matmul %mul3A_62, %get3A_67, %dot_general3A_68 {dimension_numbers = #tpu.dot_dimension_numbers<[1], [0], [0], [1], [0, 0, 1, 1], [], []>, precision = #tpu.contract_precision<fp32>, transpose_lhs_hint = false} : vector<128x100xf32>, vector<100x100xf32>, vector<128x100xf32> -> vector<128x100xf32>
    %get3A_70 = arith.constant 0 : index
    %get3A_71 = arith.constant 0 : index
    %get3A_72 = arith.constant 5 : index
    %get3A_73 = vector.load %arg4[%get3A_70, %get3A_71, %get3A_72] : memref<1x128x16xf32, #tpu.memory_space<vmem>>, vector<1x128x1xf32>
    %get3A_74 = vector.shape_cast %get3A_73 : vector<1x128x1xf32> to vector<128x1xf32>
    %mul3A_75 = vector.broadcast %get3A_74 : vector<128x1xf32> to vector<128x100xf32>
    %mul3A_76 = arith.mulf %get3A_1, %mul3A_75 : vector<128x100xf32>
    %get3A_77 = arith.constant 0 : index
    %get3A_78 = arith.constant 0 : index
    %get3A_79 = arith.constant 0 : index
    %get3A_80 = vector.load %arg10[%get3A_77, %get3A_78, %get3A_79] : memref<1x100x100xf32, #tpu.memory_space<vmem>>, vector<1x100x100xf32>
    %get3A_81 = vector.shape_cast %get3A_80 : vector<1x100x100xf32> to vector<100x100xf32>
    %dot_general3A_82 = arith.constant dense<0.000000e+00> : vector<128x100xf32>
    %dot_general3A_83 = tpu.matmul %mul3A_76, %get3A_81, %dot_general3A_82 {dimension_numbers = #tpu.dot_dimension_numbers<[1], [0], [0], [1], [0, 0, 1, 1], [], []>, precision = #tpu.contract_precision<fp32>, transpose_lhs_hint = false} : vector<128x100xf32>, vector<100x100xf32>, vector<128x100xf32> -> vector<128x100xf32>
    %get3A_84 = arith.constant 0 : index
    %get3A_85 = arith.constant 0 : index
    %get3A_86 = arith.constant 6 : index
    %get3A_87 = vector.load %arg4[%get3A_84, %get3A_85, %get3A_86] : memref<1x128x16xf32, #tpu.memory_space<vmem>>, vector<1x128x1xf32>
    %get3A_88 = vector.shape_cast %get3A_87 : vector<1x128x1xf32> to vector<128x1xf32>
    %mul3A_89 = vector.broadcast %get3A_88 : vector<128x1xf32> to vector<128x100xf32>
    %mul3A_90 = arith.mulf %get3A_1, %mul3A_89 : vector<128x100xf32>
    %get3A_91 = arith.constant 0 : index
    %get3A_92 = arith.constant 0 : index
    %get3A_93 = arith.constant 0 : index
    %get3A_94 = vector.load %arg11[%get3A_91, %get3A_92, %get3A_93] : memref<1x100x100xf32, #tpu.memory_space<vmem>>, vector<1x100x100xf32>
    %get3A_95 = vector.shape_cast %get3A_94 : vector<1x100x100xf32> to vector<100x100xf32>
    %dot_general3A_96 = arith.constant dense<0.000000e+00> : vector<128x100xf32>
    %dot_general3A_97 = tpu.matmul %mul3A_90, %get3A_95, %dot_general3A_96 {dimension_numbers = #tpu.dot_dimension_numbers<[1], [0], [0], [1], [0, 0, 1, 1], [], []>, precision = #tpu.contract_precision<fp32>, transpose_lhs_hint = false} : vector<128x100xf32>, vector<100x100xf32>, vector<128x100xf32> -> vector<128x100xf32>
    %get3A_98 = arith.constant 0 : index
    %get3A_99 = arith.constant 0 : index
    %get3A_100 = arith.constant 7 : index
    %get3A_101 = vector.load %arg4[%get3A_98, %get3A_99, %get3A_100] : memref<1x128x16xf32, #tpu.memory_space<vmem>>, vector<1x128x1xf32>
    %get3A_102 = vector.shape_cast %get3A_101 : vector<1x128x1xf32> to vector<128x1xf32>
    %mul3A_103 = vector.broadcast %get3A_102 : vector<128x1xf32> to vector<128x100xf32>
    %mul3A_104 = arith.mulf %get3A_1, %mul3A_103 : vector<128x100xf32>
    %get3A_105 = arith.constant 0 : index
    %get3A_106 = arith.constant 0 : index
    %get3A_107 = arith.constant 0 : index
    %get3A_108 = vector.load %arg12[%get3A_105, %get3A_106, %get3A_107] : memref<1x100x100xf32, #tpu.memory_space<vmem>>, vector<1x100x100xf32>
    %get3A_109 = vector.shape_cast %get3A_108 : vector<1x100x100xf32> to vector<100x100xf32>
    %dot_general3A_110 = arith.constant dense<0.000000e+00> : vector<128x100xf32>
    %dot_general3A_111 = tpu.matmul %mul3A_104, %get3A_109, %dot_general3A_110 {dimension_numbers = #tpu.dot_dimension_numbers<[1], [0], [0], [1], [0, 0, 1, 1], [], []>, precision = #tpu.contract_precision<fp32>, transpose_lhs_hint = false} : vector<128x100xf32>, vector<100x100xf32>, vector<128x100xf32> -> vector<128x100xf32>
    %add3A = arith.addf %dot_general3A_13, %dot_general3A_27 : vector<128x100xf32>
    %add3A_112 = arith.addf %dot_general3A_41, %dot_general3A_55 : vector<128x100xf32>
    %add3A_113 = arith.addf %dot_general3A_69, %dot_general3A_83 : vector<128x100xf32>
    %add3A_114 = arith.addf %dot_general3A_97, %dot_general3A_111 : vector<128x100xf32>
    %add3A_115 = arith.addf %add3A, %add3A_112 : vector<128x100xf32>
    %add3A_116 = arith.addf %add3A_113, %add3A_114 : vector<128x100xf32>
    %add3A_117 = arith.addf %add3A_115, %add3A_116 : vector<128x100xf32>
    %get3A_118 = arith.constant 0 : index
    %get3A_119 = arith.constant 0 : index
    %get3A_120 = arith.constant 8 : index
    %get3A_121 = vector.load %arg4[%get3A_118, %get3A_119, %get3A_120] : memref<1x128x16xf32, #tpu.memory_space<vmem>>, vector<1x128x1xf32>
    %get3A_122 = vector.shape_cast %get3A_121 : vector<1x128x1xf32> to vector<128x1xf32>
    %gt3A = arith.constant 0.000000e+00 : f32
    %gt3A_123 = vector.broadcast %gt3A : f32 to vector<128x1xf32>
    %gt3A_124 = arith.cmpf ogt, %get3A_122, %gt3A_123 : vector<128x1xf32>
    %get3A_125 = arith.constant 0 : index
    %get3A_126 = arith.constant 0 : index
    %get3A_127 = vector.load %arg13[%get3A_125, %get3A_126] : memref<128x100xf32, #tpu.memory_space<vmem>>, vector<128x100xf32>
    %broadcast_in_dim3A = vector.shape_cast %gt3A_124 : vector<128x1xi1> to vector<128x1xi1>
    %broadcast_in_dim3A_128 = vector.broadcast %broadcast_in_dim3A : vector<128x1xi1> to vector<128x100xi1>
    %select_n3A = arith.select %broadcast_in_dim3A_128, %add3A_117, %get3A_127 : vector<128x100xi1>, vector<128x100xf32>
    %swap3A = arith.constant 0 : index
    %swap3A_129 = arith.constant 0 : index
    %swap3A_130 = vector.load %arg13[%swap3A, %swap3A_129] : memref<128x100xf32, #tpu.memory_space<vmem>>, vector<128x100xf32>
    tpu.vector_store %arg13[%swap3A, %swap3A_129], %select_n3A {strides = array<i32>} : memref<128x100xf32, #tpu.memory_space<vmem>>, vector<128x100xf32>,
    return
  }
  func.func @transform_0(%arg0: i32, %arg1: memref<2160xi32, #tpu.memory_space<smem>>, %arg2: memref<270xi32, #tpu.memory_space<smem>>) -> (i32, i32) {
    %get3A = arith.index_cast %arg0 : i32 to index
    %get3A_0 = memref.load %arg2[%get3A] : memref<270xi32, #tpu.memory_space<smem>>
    %c0_i32 = arith.constant 0 : i32
    %c0_i32_1 = arith.constant 0 : i32
    return %get3A_0, %c0_i32 : i32, i32
  }
  func.func @transform_1(%arg0: i32, %arg1: memref<2160xi32, #tpu.memory_space<smem>>, %arg2: memref<270xi32, #tpu.memory_space<smem>>) -> (i32, i32, i32) {
    %c0_i32 = arith.constant 0 : i32
    %c0_i32_0 = arith.constant 0 : i32
    %c0_i32_1 = arith.constant 0 : i32
    return %arg0, %c0_i32, %c0_i32_0 : i32, i32, i32
  }
  func.func @transform_2(%arg0: i32, %arg1: memref<2160xi32, #tpu.memory_space<smem>>, %arg2: memref<270xi32, #tpu.memory_space<smem>>) -> (i32, i32, i32) {
    %mul3A = arith.constant 8 : i32
    %mul3A_0 = arith.muli %arg0, %mul3A : i32
    %add3A = arith.constant 0 : i32
    %add3A_1 = arith.addi %mul3A_0, %add3A : i32
    %get3A = arith.index_cast %add3A_1 : i32 to index
    %get3A_2 = memref.load %arg1[%get3A] : memref<2160xi32, #tpu.memory_space<smem>>
    %c0_i32 = arith.constant 0 : i32
    %c0_i32_3 = arith.constant 0 : i32
    %c0_i32_4 = arith.constant 0 : i32
    return %get3A_2, %c0_i32, %c0_i32_3 : i32, i32, i32
  }
  func.func @transform_3(%arg0: i32, %arg1: memref<2160xi32, #tpu.memory_space<smem>>, %arg2: memref<270xi32, #tpu.memory_space<smem>>) -> (i32, i32, i32) {
    %mul3A = arith.constant 8 : i32
    %mul3A_0 = arith.muli %arg0, %mul3A : i32
    %add3A = arith.constant 1 : i32
    %add3A_1 = arith.addi %mul3A_0, %add3A : i32
    %get3A = arith.index_cast %add3A_1 : i32 to index
    %get3A_2 = memref.load %arg1[%get3A] : memref<2160xi32, #tpu.memory_space<smem>>
    %c0_i32 = arith.constant 0 : i32
    %c0_i32_3 = arith.constant 0 : i32
    %c0_i32_4 = arith.constant 0 : i32
    return %get3A_2, %c0_i32, %c0_i32_3 : i32, i32, i32
  }
  func.func @transform_4(%arg0: i32, %arg1: memref<2160xi32, #tpu.memory_space<smem>>, %arg2: memref<270xi32, #tpu.memory_space<smem>>) -> (i32, i32, i32) {
    %mul3A = arith.constant 8 : i32
    %mul3A_0 = arith.muli %arg0, %mul3A : i32
    %add3A = arith.constant 2 : i32
    %add3A_1 = arith.addi %mul3A_0, %add3A : i32
    %get3A = arith.index_cast %add3A_1 : i32 to index
    %get3A_2 = memref.load %arg1[%get3A] : memref<2160xi32, #tpu.memory_space<smem>>
    %c0_i32 = arith.constant 0 : i32
    %c0_i32_3 = arith.constant 0 : i32
    %c0_i32_4 = arith.constant 0 : i32
    return %get3A_2, %c0_i32, %c0_i32_3 : i32, i32, i32
  }
  func.func @transform_5(%arg0: i32, %arg1: memref<2160xi32, #tpu.memory_space<smem>>, %arg2: memref<270xi32, #tpu.memory_space<smem>>) -> (i32, i32, i32) {
    %mul3A = arith.constant 8 : i32
    %mul3A_0 = arith.muli %arg0, %mul3A : i32
    %add3A = arith.constant 3 : i32
    %add3A_1 = arith.addi %mul3A_0, %add3A : i32
    %get3A = arith.index_cast %add3A_1 : i32 to index
    %get3A_2 = memref.load %arg1[%get3A] : memref<2160xi32, #tpu.memory_space<smem>>
    %c0_i32 = arith.constant 0 : i32
    %c0_i32_3 = arith.constant 0 : i32
    %c0_i32_4 = arith.constant 0 : i32
    return %get3A_2, %c0_i32, %c0_i32_3 : i32, i32, i32
  }
  func.func @transform_6(%arg0: i32, %arg1: memref<2160xi32, #tpu.memory_space<smem>>, %arg2: memref<270xi32, #tpu.memory_space<smem>>) -> (i32, i32, i32) {
    %mul3A = arith.constant 8 : i32
    %mul3A_0 = arith.muli %arg0, %mul3A : i32
    %add3A = arith.constant 4 : i32
    %add3A_1 = arith.addi %mul3A_0, %add3A : i32
    %get3A = arith.index_cast %add3A_1 : i32 to index
    %get3A_2 = memref.load %arg1[%get3A] : memref<2160xi32, #tpu.memory_space<smem>>
    %c0_i32 = arith.constant 0 : i32
    %c0_i32_3 = arith.constant 0 : i32
    %c0_i32_4 = arith.constant 0 : i32
    return %get3A_2, %c0_i32, %c0_i32_3 : i32, i32, i32
  }
  func.func @transform_7(%arg0: i32, %arg1: memref<2160xi32, #tpu.memory_space<smem>>, %arg2: memref<270xi32, #tpu.memory_space<smem>>) -> (i32, i32, i32) {
    %mul3A = arith.constant 8 : i32
    %mul3A_0 = arith.muli %arg0, %mul3A : i32
    %add3A = arith.constant 5 : i32
    %add3A_1 = arith.addi %mul3A_0, %add3A : i32
    %get3A = arith.index_cast %add3A_1 : i32 to index
    %get3A_2 = memref.load %arg1[%get3A] : memref<2160xi32, #tpu.memory_space<smem>>
    %c0_i32 = arith.constant 0 : i32
    %c0_i32_3 = arith.constant 0 : i32
    %c0_i32_4 = arith.constant 0 : i32
    return %get3A_2, %c0_i32, %c0_i32_3 : i32, i32, i32
  }
  func.func @transform_8(%arg0: i32, %arg1: memref<2160xi32, #tpu.memory_space<smem>>, %arg2: memref<270xi32, #tpu.memory_space<smem>>) -> (i32, i32, i32) {
    %mul3A = arith.constant 8 : i32
    %mul3A_0 = arith.muli %arg0, %mul3A : i32
    %add3A = arith.constant 6 : i32
    %add3A_1 = arith.addi %mul3A_0, %add3A : i32
    %get3A = arith.index_cast %add3A_1 : i32 to index
    %get3A_2 = memref.load %arg1[%get3A] : memref<2160xi32, #tpu.memory_space<smem>>
    %c0_i32 = arith.constant 0 : i32
    %c0_i32_3 = arith.constant 0 : i32
    %c0_i32_4 = arith.constant 0 : i32
    return %get3A_2, %c0_i32, %c0_i32_3 : i32, i32, i32
  }
  func.func @transform_9(%arg0: i32, %arg1: memref<2160xi32, #tpu.memory_space<smem>>, %arg2: memref<270xi32, #tpu.memory_space<smem>>) -> (i32, i32, i32) {
    %mul3A = arith.constant 8 : i32
    %mul3A_0 = arith.muli %arg0, %mul3A : i32
    %add3A = arith.constant 7 : i32
    %add3A_1 = arith.addi %mul3A_0, %add3A : i32
    %get3A = arith.index_cast %add3A_1 : i32 to index
    %get3A_2 = memref.load %arg1[%get3A] : memref<2160xi32, #tpu.memory_space<smem>>
    %c0_i32 = arith.constant 0 : i32
    %c0_i32_3 = arith.constant 0 : i32
    %c0_i32_4 = arith.constant 0 : i32
    return %get3A_2, %c0_i32, %c0_i32_3 : i32, i32, i32
  }
  func.func @transform_10(%arg0: i32, %arg1: memref<2160xi32, #tpu.memory_space<smem>>, %arg2: memref<270xi32, #tpu.memory_space<smem>>) -> (i32, i32) {
    %get3A = arith.index_cast %arg0 : i32 to index
    %get3A_0 = memref.load %arg2[%get3A] : memref<270xi32, #tpu.memory_space<smem>>
    %c0_i32 = arith.constant 0 : i32
    %c0_i32_1 = arith.constant 0 : i32
    return %get3A_0, %c0_i32 : i32, i32
  }
}

module attributes {stable_mosaic.version = 14 : i64} {
  func.func @_sample_body(%arg0: i32, %arg1: memref<2048x100xf32, #tpu.memory_space<vmem>>, %arg2: memref<2048x100xf32, #tpu.memory_space<vmem>>, %arg3: memref<2048x100xf32, #tpu.memory_space<vmem>>) attributes {dimension_semantics = [#tpu.dimension_semantics<arbitrary>], iteration_bounds = array<i64: 8>, scalar_prefetch = 0 : i64, scratch_operands = 0 : i64, tpu.core_type = #tpu.core_type<tc>, window_params = [{transform_indices = @transform_0, window_bounds = array<i64: 2048, 100>}, {transform_indices = @transform_1, window_bounds = array<i64: 2048, 100>}, {transform_indices = @transform_2, window_bounds = array<i64: 2048, 100>}]} {
    %get3A = arith.constant 0 : index
    %get3A_0 = arith.constant 0 : index
    %get3A_1 = vector.load %arg1[%get3A, %get3A_0] : memref<2048x100xf32, #tpu.memory_space<vmem>>, vector<2048x100xf32>
    %reduce_sum3A = arith.constant dense<0.000000e+00> : vector<2048xf32>
    %reduce_sum3A_2 = vector.multi_reduction <add>, %get3A_1, %reduce_sum3A [1] : vector<2048x100xf32> to vector<2048xf32>
    %broadcast_in_dim3A = vector.shape_cast %reduce_sum3A_2 : vector<2048xf32> to vector<2048x1xf32>
    %div3A = vector.broadcast %broadcast_in_dim3A : vector<2048x1xf32> to vector<2048x100xf32>
    %div3A_3 = arith.divf %get3A_1, %div3A : vector<2048x100xf32>
    %max3A = arith.constant 1.000000e-30 : f32
    %max3A_4 = vector.broadcast %max3A : f32 to vector<2048x100xf32>
    %max3A_5 = arith.maximumf %div3A_3, %max3A_4 : vector<2048x100xf32>
    %log3A = math.log %max3A_5 : vector<2048x100xf32>
    %get3A_6 = arith.constant 0 : index
    %get3A_7 = arith.constant 0 : index
    %get3A_8 = vector.load %arg2[%get3A_6, %get3A_7] : memref<2048x100xf32, #tpu.memory_space<vmem>>, vector<2048x100xf32>
    %add3A = arith.addf %log3A, %get3A_8 : vector<2048x100xf32>
    %reduce_max3A = arith.constant dense<0xFF800000> : vector<2048xf32>
    %reduce_max3A_9 = vector.multi_reduction <maximumf>, %add3A, %reduce_max3A [1] : vector<2048x100xf32> to vector<2048xf32>
    %broadcast_in_dim3A_10 = vector.shape_cast %reduce_max3A_9 : vector<2048xf32> to vector<2048x1xf32>
    %iota3A = tpu.iota {dimensions = array<i32: 1>} : vector<2048x100xi32>
    %eq3A = vector.broadcast %broadcast_in_dim3A_10 : vector<2048x1xf32> to vector<2048x100xf32>
    %eq3A_11 = arith.cmpf oeq, %add3A, %eq3A : vector<2048x100xf32>
    %jit3A = arith.constant 100 : i32
    %broadcast_in_dim3A_12 = vector.broadcast %jit3A : i32 to vector<2048x100xi32>
    %select_n3A = arith.select %eq3A_11, %iota3A, %broadcast_in_dim3A_12 : vector<2048x100xi1>, vector<2048x100xi32>
    %reduce_min3A = arith.constant dense<2147483647> : vector<2048xi32>
    %reduce_min3A_13 = vector.multi_reduction <minsi>, %select_n3A, %reduce_min3A [1] : vector<2048x100xi32> to vector<2048xi32>
    %broadcast_in_dim3A_14 = vector.shape_cast %reduce_min3A_13 : vector<2048xi32> to vector<2048x1xi32>
    %eq3A_15 = vector.broadcast %broadcast_in_dim3A_14 : vector<2048x1xi32> to vector<2048x100xi32>
    %eq3A_16 = arith.cmpi eq, %iota3A, %eq3A_15 : vector<2048x100xi32>
    %convert_element_type3A = arith.extui %eq3A_16 : vector<2048x100xi1> to vector<2048x100xi32>
    %convert_element_type3A_17 = arith.sitofp %convert_element_type3A : vector<2048x100xi32> to vector<2048x100xf32>
    %swap3A = arith.constant 0 : index
    %swap3A_18 = arith.constant 0 : index
    %swap3A_19 = vector.load %arg3[%swap3A, %swap3A_18] : memref<2048x100xf32, #tpu.memory_space<vmem>>, vector<2048x100xf32>
    tpu.vector_store %arg3[%swap3A, %swap3A_18], %convert_element_type3A_17 {strides = array<i32>} : memref<2048x100xf32, #tpu.memory_space<vmem>>, vector<2048x100xf32>,
    return
  }
  func.func @transform_0(%arg0: i32) -> (i32, i32) {
    %c0_i32 = arith.constant 0 : i32
    %c0_i32_0 = arith.constant 0 : i32
    return %arg0, %c0_i32 : i32, i32
  }
  func.func @transform_1(%arg0: i32) -> (i32, i32) {
    %c0_i32 = arith.constant 0 : i32
    %c0_i32_0 = arith.constant 0 : i32
    return %arg0, %c0_i32 : i32, i32
  }
  func.func @transform_2(%arg0: i32) -> (i32, i32) {
    %c0_i32 = arith.constant 0 : i32
    %c0_i32_0 = arith.constant 0 : i32
    return %arg0, %c0_i32 : i32, i32
  }
}

</mosaic_0001>

<sc_bundles>
// kernel: gather_offload_async_start.1
scs
__scs_entry_jumppad:
0x0: {  	(pc) =	sbr.rel $0x88, $3  }
0x1: {  	(tag) =	ssettag $0x0;
	lr =	simm.s32 $0x1  }
0x2: {  	[smem:$0x3F9E] =	sst lr;
	_ =	strace $0xD0000000  }
0x3: {  	_ = 	snop  }
0x4: {  	_ = 	snop  }
0x5: {  	_ = 	snop  }
0x6: {  	_ = 	snop  }
0x7: {  	_ = 	snop  }
__scs_overlays_trampoline_lowered:
0x8: {  	[smem:$0x3FAD] =	sst s0  }
0x9: {  	[smem:$0x3FAE] =	sst s1  }
0xa: {  	[smem:$0x3FAF] =	sst s2  }
0xb: {  	[smem:$0x3FB0] =	sst s3  }
0xc: {  	[smem:$0x3FB1] =	sst s4  }
0xd: {  	[smem:$0x3FB2] =	sst s5  }
0xe: {  	[smem:$0x3FB3] =	sst s6  }
0xf: {  	[smem:$0x3FB4] =	sst s7  }
0x10: {  	[smem:$0x3FB5] =	sst s8  }
0x11: {  	[smem:$0x3FB6] =	sst s9;
	s0 =	simm.s32 @!p0 $0x0  }
0x12: {  	s1 =	sld [smem:$0x3F9C];
	s0 =	simm.s32 @p0 $0x1  }
0x13: {  	[smem:$0x3FB7] =	sst s0;
	s0 =	simm.s32 @!p1 $0x0  }
0x14: {  	s2 =	sld [smem:$0x3F9B];
	s0 =	simm.s32 @p1 $0x1  }
0x15: {  	[smem:$0x3FB8] =	sst s0;
	s0 =	simm.s32 @!p2 $0x0  }
0x16: {  	s3 =	sld [smem:$0x3FDB];
	s0 =	simm.s32 @p2 $0x1  }
0x17: {  	s4 =	simm.s32 $0x1BF5;
	[smem:$0x3FBA] =	sst s0  }
0x18: {  	s0 =	sld [smem:$0x3F9D];
	_ =	swait.ge [sflag:s4], $0x0  }
0x19: {  	s7 =	sld [smem:$0x3F9E]  }
0x1a: {  	s8 =	sadd.s32 $0xFFFFE003, lr  }
0x1b: {  	s9 =	sadd.s32 $0xFFFFFEF7, lr;
	s5 =	simm.s32 $0xFFFFFFFF;
	p2 =	slt.u32 s8, $0xFFFFF086  }
0x1c: {  	p1 =	slt.u32 s9, $0xF7A;
	s5 =	simm.s32 @!p2 $0x0  }
0x1d: {  	s5 =	simm.s32 @p1 $0x1;
	p0 =	seq.s32 s7, s2  }
0x1e: {  	s7 =	smul.u32 @!p0 $0xF7A, s2;
	p2 =	seq.s32 @!p0 s5, $0x0  }
0x1f: {  	s9 =	smul.u32 $0xF7A, s1;
	s8 =	simm.s32 @!p0 $0x1BF5;
	p2 =	por !p2, p0  }
0x20: {  	[sflag:s8] =	ssyncset.s32 @!p0 $0xFFFFF086;
	s6 =	sadd.s32 @!p0 s3, s7;
	s7 =	simm.s32 @!p0 $0x108  }
0x21: {  	s3 =	sadd.s32 s3, s9;
	s6 =	sadd.s32 @!p0 $0x88, s6;
	s7 =	simm.s32 @p2 $0x1082  }
0x22: {  	[simem:s7], [sflag:s8] =	dma.local @!p0 [hbm:s6], $0xF7A  }
0x23: {  	s9 =	sor.u32 $0xD0000000, s2;
	s6 =	simm.s32 $0x108;
	_ =	swait.ge @!p0 [sflag:s8], $0x0  }
0x24: {  	s3 =	sadd.s32 $0x88, s3;
	s6 =	simm.s32 @!p1 $0x1082;
	[sflag:s4] =	ssyncset.s32 $0xFFFFF086  }
0x25: {  	[simem:s6], [sflag:s4] =	dma.local [hbm:s3], $0xF7A  }
0x26: {  	[smem:$0x3F9E] =	sst s1;
	(tag) =	ssettag s2;
	_ =	strace s9  }
0x27: {  	s1 =	sld [smem:$0x3FAE]  }
0x28: {  	s2 =	sld [smem:$0x3FAF]  }
0x29: {  	s4 =	sld [smem:$0x3FB1]  }
0x2a: {  	p0 =	seq.s32 s5, $0x0;
	s5 =	sld [smem:$0x3FB2]  }
0x2b: {  	s6 =	sld [smem:$0x3FB3]  }
0x2c: {  	s7 =	sld [smem:$0x3FB4]  }
0x2d: {  	s3 =	simm.s32 $0x108;
	s8 =	sld [smem:$0x3FB5]  }
0x2e: {  	s3 =	simm.s32 @!p0 $0x1082;
	s9 =	sld [smem:$0x3FB6]  }
0x2f: {  	lr =	sadd.s32 s0, s3;
	s0 =	sld [smem:$0x3FAD]  }
0x30: {  	s3 =	sld [smem:$0x3FB0]  }
0x31: {  	[smem:$0x3FB9] =	sst s10  }
0x32: {  	s10 =	sld [smem:$0x3FB7];
	_ =	sdelay $0x3  }
0x33: {  	p0 =	seq.s32 s10, $0x1;
	s10 =	sld [smem:$0x3FB9];
	_ =	sdelay $0x3  }
0x34: {  	[smem:$0x3FB9] =	sst s10  }
0x35: {  	s10 =	sld [smem:$0x3FB8];
	_ =	sdelay $0x3  }
0x36: {  	p1 =	seq.s32 s10, $0x1;
	s10 =	sld [smem:$0x3FB9];
	_ =	sdelay $0x3  }
0x37: {  	[smem:$0x3FB9] =	sst s10  }
0x38: {  	s10 =	sld [smem:$0x3FBA]  }
0x39: {  	_ = 	snop;
	(pc) =	sbr.ind lr, $3  }
0x3a: {  	_ = 	snop  }
0x3b: {  	_ = 	snop  }
0x3c: {  	p2 =	seq.s32 s10, $0x1;
	s10 =	sld [smem:$0x3FB9]  }
0x3d: {  	_ =	shalt  }
0x3e: {  	_ =	shalt  }
0x3f: {  	_ =	shalt  }
0x40: {  	_ =	shalt  }
0x41: {  	_ =	shalt  }
0x42: {  	_ =	shalt  }
0x43: {  	_ =	shalt  }
0x44: {  	_ =	shalt  }
0x45: {  	_ =	shalt  }
0x46: {  	_ =	shalt  }
0x47: {  	_ =	shalt  }
0x48: {  	_ =	shalt  }
0x49: {  	_ =	shalt  }
0x4a: {  	_ =	shalt  }
0x4b: {  	_ =	shalt  }
0x4c: {  	_ =	shalt  }
0x4d: {  	_ =	shalt  }
0x4e: {  	_ =	shalt  }
0x4f: {  	_ =	shalt  }
0x50: {  	_ =	shalt  }
0x51: {  	_ =	shalt  }
0x52: {  	_ =	shalt  }
0x53: {  	_ =	shalt  }
0x54: {  	_ =	shalt  }
0x55: {  	_ =	shalt  }
0x56: {  	_ =	shalt  }
0x57: {  	_ =	shalt  }
0x58: {  	_ =	shalt  }
0x59: {  	_ =	shalt  }
0x5a: {  	_ =	shalt  }
0x5b: {  	_ =	shalt  }
0x5c: {  	_ =	shalt  }
0x5d: {  	_ =	shalt  }
0x5e: {  	_ =	shalt  }
0x5f: {  	_ =	shalt  }
0x60: {  	_ =	shalt  }
0x61: {  	_ =	shalt  }
0x62: {  	_ =	shalt  }
0x63: {  	_ =	shalt  }
0x64: {  	_ =	shalt  }
0x65: {  	_ =	shalt  }
0x66: {  	_ =	shalt  }
0x67: {  	_ =	shalt  }
0x68: {  	_ =	shalt  }
0x69: {  	_ =	shalt  }
0x6a: {  	_ =	shalt  }
0x6b: {  	_ =	shalt  }
0x6c: {  	_ =	shalt  }
0x6d: {  	_ =	shalt  }
0x6e: {  	_ =	shalt  }
0x6f: {  	_ =	shalt  }
0x70: {  	_ =	shalt  }
0x71: {  	_ =	shalt  }
0x72: {  	_ =	shalt  }
0x73: {  	_ =	shalt  }
0x74: {  	_ =	shalt  }
0x75: {  	_ =	shalt  }
0x76: {  	_ =	shalt  }
0x77: {  	_ =	shalt  }
0x78: {  	_ =	shalt  }
0x79: {  	_ =	shalt  }
0x7a: {  	_ =	shalt  }
0x7b: {  	_ =	shalt  }
0x7c: {  	_ =	shalt  }
0x7d: {  	_ =	shalt  }
0x7e: {  	_ =	shalt  }
0x7f: {  	_ =	shalt  }
0x80: {  	_ =	shalt  }
0x81: {  	_ =	shalt  }
0x82: {  	_ =	shalt  }
0x83: {  	_ =	shalt  }
0x84: {  	_ =	shalt  }
0x85: {  	_ =	shalt  }
0x86: {  	_ =	shalt  }
0x87: {  	_ =	shalt  }
.Lfunc_end0:
.L_simem_size_0:
called_computation.2_lowered:
.L_overlay_start_0:
0x88: {  	s2 =	sld [smem:$0x3FD9]  }
0x89: {  	s3 =	sld [smem:$0x3FFE];
	_ =	sdelay $0x1  }
0x8a: {  	s1 =	srdreg.scid  }
0x8b: {  	s0 =	sand.u32 $0x1, s1  }
0x8c: {  	s16 =	sshll.u32 s0, $0xA;
	s2 =	sadd.s32 s3, s2  }
0x8d: {  	s2 =	sadd.s32 s2, s16  }
0x8e: {  	[smem:$0x3FC5] =	sst s2  }
0x8f: {  	_ = 	snop  }
0x90: {  	(tm) =	ssettm $0x1  }
0x91: {  	s17 =	sld [smem:$0x3FFB];
	_ =	sdelay $0x3  }
0x92: {  	_ =	strace s17  }
0x93: {  	s2 =	sld [smem:$0x3FFC];
	_ =	sdelay $0x3  }
0x94: {  	_ =	strace s2  }
0x95: {  	s2 =	sld [smem:$0x3FFD];
	_ =	sdelay $0x3  }
0x96: {  	_ =	strace s2  }
0x97: {  	_ =	strace $0x8FFFFFFF  }
0x98: {  	s18 =	sld [smem:$0x3FDB];
	_ =	sdelay $0x1  }
0x99: {  	s19 =	simm.s32 $_scs_section_size  }
0x9a: {  	s4 =	simm.s32 $_size__tile_overlayer_lowered;
	s5 =	simm.s32 $_tile_overlayer_lowered  }
0x9b: {  	s22 =	simm.s32 $0x1BFF;
	s21 =	sshll.u32 s5, $0x1;
	s2 =	sadd.s32 s19, s18  }
0x9c: {  	s6 =	simm.s32 $0x0;
	s20 =	sshll.u32 s4, $0x1;
	s4 =	sadd.s32 s21, s2  }
0x9d: {  	[timem:s6], [sflag:s22] =	dma.local [hbm:s4], s20  }
0x9e: {  	_ =	swait.ge [sflag:s22], s20  }
0x9f: {  	s3 =	ssub.s32 $0x0, s20;
	[sflag:s22] =	ssyncset.done $0x0  }
0xa0: {  	[sflag:s22] =	ssyncadd.s32 s3;
	_ =	sdelay $0x1  }
0xa1: {  	s23 =	simm.s32 $0x1B8B  }
0xa2: {  	_ =	swait.ge [sflag:s23], $0x1  }
0xa3: {  	[sflag:s23] =	ssyncset.done $0x0  }
0xa4: {  	s25 =	simm.s32 $0x1B8E;
	s24 =	sld [smem:$0x3FFE];
	[sflag:s23] =	ssyncadd.s32 $0xFFFFFFFF  }
0xa5: {  	s26 =	simm.s32 $execute0_lowered;
	[smem:$0x3FD2] =	sst s25  }
0xa6: {  	s4 =	sshll.u32 s26, $0x1;
	_ =	strace $0x8000004F;
	[dreg:$0x1] =	wrdreg $0xFFFFFFFF  }
0xa7: {  	s28 =	simm.s32 $_size_execute0_lowered;
	s2 =	sadd.s32 s2, s4;
	[dreg:$0x0] =	wrdreg $0x0  }
0xa8: {  	s4 =	sshll.u32 s28, $0x1;
	[dreg:$0x2] =	wrdreg s2  }
0xa9: {  	[dreg:$0x3] =	wrdreg s4  }
0xaa: {  	[dreg:$0x4] =	wrdreg $0xC0  }
0xab: {  	_ =	task [dreg:s6], $0x5FFFF  }
0xac: {  	[dreg:$0x1] =	wrdreg $0xFFFFFFFF  }
0xad: {  	[dreg:$0x0] =	wrdreg $0x60  }
0xae: {  	[dreg:$0x2] =	wrdreg s24  }
0xaf: {  	[dreg:$0x3] =	wrdreg $0x9  }
0xb0: {  	_ =	task.clear_ibuf [dreg:s6], $0x4FFFF;
	_ =	strace $0x9000004F  }
0xb1: {  	s29 =	simm.s32 $0x9;
	_ =	strace $0x80000051  }
0xb2: {  	_ =	swait.ge [sflag:s29], $0x1  }
0xb3: {  	[sflag:s29] =	ssyncadd.s32 $0xFFFFFFFF  }
0xb4: {  	_ =	strace $0x90000051  }
0xb5: {  	_ =	sfence  }
0xb6: {  	s30 =	sld [smem:$0x0];
	_ =	sdelay $0x2  }
0xb7: {  	s31 =	sshll.u32 s1, $0xD;
	s1 =	sshrl.u32 s1, $0x2  }
0xb8: {  	s3 =	sand.u32 $0x4000, s31;
	s1 =	sadd.s32 s1, s30  }
0xb9: {  	s0 =	sor.u32 s3, s0;
	s1 =	sshll.u32 s1, $0x11  }
0xba: {  	s0 =	sor.u32 s1, s0  }
0xbb: {  	s0 =	sadd.s32 $0x8F2B, s0  }
0xbc: {  	[sflag:s0] =	ssyncadd.remote.s32 $0x1  }
0xbd: {  	_ =	sfence.sel $0xFFFF  }
0xbe: {  	[dreg:$0x0] =	wrdreg $0xFFFFFFFF;
	(pc) =	sbr.abs _section_cstart, $3  }
0xbf: {  	[dreg:$0x1] =	wrdreg $0xFFFFFFFF  }
0xc0: {  	_ =	task.clear_ibuf [dreg:s6], $0x2FFFF;
	_ =	strace $0x9FFFFFFF  }
0xc1: {  	(tm) =	ssettm $0x7FFFFFFF  }
tec
execute0_lowered:
.L_overlay_start_1:
0x0: {  	(tag) =	ssettag $0x1  }
0x1: {  	s7 =	rddreg [dreg:$0x0]  }
0x2: {  	s0 =	rddreg [dreg:$0x1];
	_ =	strace $0x80000050  }
0x3: {  	s1 =	srdreg.scid;
	s4 =	simm.s32 $0x1;
	s9 =	simm.s32 $0x3  }
0x4: {  	s11 =	simm.s32 $0x0;
	p0 =	por $0x0, $0x0;
	s5 =	sshll.u32 s1, $0x4  }
.Ltmp0:
0x5: {  	s1 =	stileid.u32;
	s5 =	sand.u32 $0x10, s5;
	(pc) =	sbr.rel .LBB2_1-.Ltmp0, $4  }
0x6: {  	s2 =	sadd.s32 $0x2A00, s7;
	s3 =	sadd.s32 $0x1D9800, s7;
	s6 =	sor.u32 s1, s5  }
0x7: {  	[sflag:s4] =	ssyncpa.u1 $0x0;
	s5 =	simm.s32 $0x2;
	s6 =	sshll.u32 s6, $0x9  }
0x8: {  	s7 =	sadd.s32 $0x42A00, s7;
	[sflag:s5] =	ssyncpa.u1 $0x0;
	s8 =	sadd.s32 $0x200, s6  }
0x9: {  	vm0 =	vmmov $0xff;
	vm1 =	vcmask $0x3F20;
	[sflag:s9] =	ssyncpa.u1 $0x0;
	s10 =	smov.u32 s6;
	s9 =	simm.s32 $0x0  }
.LBB2_7:
0xa: {  	p1 =	slt.u32 s9, $0x2;
	s11 =	sadd.s32 $0x100, s10  }
0xb: {  	s13 =	smov.u32 s6;
	s9 =	sadd.s32 $0x1, s9;
	p2 =	slt.s32 s11, s8  }
0xc: {  	s13 =	smov.u32 @p2 s11;
	p2 =	sne.s32 s9, $0x4  }
.Ltmp1:
0xd: {  	_ = 	snop;
	(pc) =	sbr.rel @!p2 .LBB2_8-.Ltmp1, $4  }
0xe: {  	s12 =	simm.s32 @!p1 $0x3  }
0xf: {  	_ =	swait.ge @!p1 [sflag:s12], $0x8000  }
0x10: {  	p0 =	por !p0, !p0;
	[sflag:s12] =	ssyncset.done @!p1 $0x0  }
0x11: {  	s11 =	smov.u32 s10;
	s10 =	smov.u32 s13;
	[sflag:s12] =	ssyncadd.s32 @!p1 $0xFFFF8000  }
.LBB2_1:
0x12: {  	p1 =	sgt.u32 s9, $0x1  }
0x13: {  	s12 =	sshll.u32 @!p1 s9, $0x8;
	s13 =	sshrl.u32 @!p1 s10, $0x3  }
0x14: {  	s14 =	sand.u32 @!p1 $0x7, s10;
	s12 =	sxor.u32 @!p1 $0x100, s12;
	s13 =	sadd.s32 @!p1 s3, s13  }
0x15: {  	[tilespmem:s12], [sflag:$0x2] =	stream.linear.gather @!p1 [hbm4b:s13+s14], $0x100, $0x38;
	[tilespmem:$0x10200] =	vst v63  }
0x16: {  	p1 =	seq.s32 s9, $0x0  }
0x17: {  	p2 =	seq.s32 @!p1 s9, $0x3  }
0x18: {  	p1 =	por p1, p2  }
.Ltmp2:
0x19: {  	_ = 	snop;
	(pc) =	sbr.rel @p1 .LBB2_7-.Ltmp2, $1  }
0x1a: {  	_ =	sdelay $0x3  }
0x1b: {  	s12 =	simm.s32 $0x1  }
0x1c: {  	_ =	swait.ge [sflag:s5], $0x100;
	s12 =	simm.s32 @!p0 $0x0  }
0x1d: {  	[sflag:s5] =	ssyncset.done $0x0;
	s14 =	sshll.u32 s12, $0x8  }
0x1e: {  	[sflag:s5] =	ssyncadd.s32 $0xFFFFFF00;
	s13 =	sadd.s32 $0x0, s14  }
0x1f: {  	v0 =	vld.msk [tilespmem:s13+$0x0 ss:$0x1], $0xffff;
	_ =	sdelay $0x4  }
0x20: {  	vm2 =	vgt.s32 v0, $0x0  }
0x21: {  	v0 =	vnsel vm2, $0x0, v0  }
0x22: {  	v0 =	vmin.u32 v0, $0x3FFF  }
0x23: {  	v0 =	vshll.u32 v0, $0x4;
	_ =	sdelay $0x2  }
0x24: {  	s12 =	sshll.u32 s12, $0xF  }
0x25: {  	s12 =	sor.u32 $0x200, s12  }
0x26: {  	[tilespmem:s12], [sflag:$0x1] =	stream.indirect_vreg.gather [hbm:s2], $0x80, v0, vm0, $0x38;
	[tilespmem:$0x10200] =	vst v63  }
0x27: {  	s15 =	sadd.s32 $0x10, s14;
	s13 =	sadd.s32 $0x400, s12  }
0x28: {  	[tilespmem:s13], [sflag:$0x1] =	stream.indirect_vreg.gather [hbm:s2], $0x80, v0, vm1, $0x38;
	[tilespmem:$0x10200] =	vst v63  }
0x29: {  	s16 =	simm.s32 $0x80;
	v0 =	vld.msk [tilespmem:s15+$0x0 ss:$0x1], $0xffff;
	s15 =	smov.u32 s12  }
.LBB2_3:
0x2a: {  	p1 =	sne.s32 s16, $0x3C0;
	_ =	sdelay $0x4  }
0x2b: {  	vm2 =	vgt.s32 v0, $0x0  }
0x2c: {  	v0 =	vnsel vm2, $0x0, v0  }
0x2d: {  	v0 =	vmin.u32 v0, $0x3FFF  }
0x2e: {  	v0 =	vshll.u32 v0, $0x4;
	_ =	sdelay $0x3  }
.Ltmp3:
0x2f: {  	s17 =	sshra.s32 s16, $0x2;
	s15 =	sadd.s32 $0x800, s15;
	(pc) =	sbr.rel @p1 .LBB2_3-.Ltmp3, $4  }
0x30: {  	[tilespmem:s15], [sflag:$0x1] =	stream.indirect_vreg.gather [hbm:s2], $0x80, v0, vm0, $0x38;
	[tilespmem:$0x10200] =	vst v63  }
0x31: {  	s17 =	sadd.s32 s17, s14;
	s18 =	sadd.s32 $0x400, s15  }
0x32: {  	[tilespmem:s18], [sflag:$0x1] =	stream.indirect_vreg.gather [hbm:s2], $0x80, v0, vm1, $0x38;
	[tilespmem:$0x10200] =	vst v63  }
0x33: {  	s16 =	sadd.s32 $0x40, s16;
	v0 =	vld.msk [tilespmem:s17+$0x0 ss:$0x1], $0xffff  }
0x34: {  	_ =	sdelay $0x3  }
0x35: {  	vm2 =	vgt.s32 v0, $0x0  }
0x36: {  	v0 =	vnsel vm2, $0x0, v0  }
0x37: {  	v0 =	vmin.u32 v0, $0x3FFF  }
0x38: {  	v0 =	vshll.u32 v0, $0x4;
	_ =	sdelay $0x3  }
0x39: {  	s14 =	sadd.s32 $0x800, s15  }
0x3a: {  	[tilespmem:s14], [sflag:$0x1] =	stream.indirect_vreg.gather [hbm:s2], $0x80, v0, vm0, $0x38;
	[tilespmem:$0x10200] =	vst v63  }
0x3b: {  	s14 =	sadd.s32 $0x400, s14  }
0x3c: {  	[tilespmem:s14], [sflag:$0x1] =	stream.indirect_vreg.gather [hbm:s2], $0x80, v0, vm1, $0x38;
	[tilespmem:$0x10200] =	vst v63  }
0x3d: {  	s11 =	sshll.u32 s11, $0x4;
	_ =	swait.ge [sflag:s4], $0x8000  }
0x3e: {  	s11 =	sadd.s32 s11, s7;
	[sflag:s4] =	ssyncset.done $0x0  }
0x3f: {  	s15 =	sadd.s32 $0x0, s11;
	s14 =	simm.s32 $0x80;
	[sflag:s4] =	ssyncadd.s32 $0xFFFF8000  }
.LBB2_5:
0x40: {  	[hbm:s15] =	stream.linear.scatter [tilespmem:s12], [sflag:$0x3], $0x400, $0x38;
	[tilespmem:$0x10200] =	vst v63  }
0x41: {  	s15 =	smov.u32 s14;
	s12 =	smov.u32 s13;
	p1 =	sne.s32 s14, $0xF80  }
.Ltmp4:
0x42: {  	s14 =	sadd.s32 $0x80, s14;
	(pc) =	sbr.rel @p1 .LBB2_5-.Ltmp4, $2  }
0x43: {  	_ =	sdelay $0x2  }
0x44: {  	s13 =	sadd.s32 $0x400, s13;
	s15 =	sadd.s32 s15, s11  }
.Ltmp5:
0x45: {  	(pc) =	sbr.rel .LBB2_7-.Ltmp5, $2  }
0x46: {  	_ =	sdelay $0x2  }
0x47: {  	[hbm:s15] =	stream.linear.scatter [tilespmem:s12], [sflag:$0x3], $0x400, $0x38;
	[tilespmem:$0x10200] =	vst v63  }
.LBB2_8:
0x48: {  	_ =	sfence.sel $0x180000  }
0x49: {  	s2 =	simm.s32 $0x2;
	[bflag:$0x0] =	sbarrier.arrive $0xFFFF  }
0x4a: {  	s30 =	simm.s32 $0x3;
	[sflag:s2] =	ssyncpa.u1 $0x1  }
0x4b: {  	s31 =	simm.s32 $0x1;
	[sflag:s30] =	ssyncpa.u1 $0x1  }
0x4c: {  	[sflag:s31] =	ssyncpa.u1 $0x1  }
0x4d: {  	p0 =	sne.s32 s1, $0x0;
	_ =	strace $0x90000050  }
0x4e: {  	s0 =	sadd.s32 @!p0 $0x100000, s0;
	[bflag:$0x2] =	sbarrier.arrive $0xFFFF  }
0x4f: {  	[sflag:s0] =	ssyncadd.tile.s32 @!p0 $0x1;
	_ =	shalt  }
.Lfunc_end2:
_tile_overlayer_lowered:
.L_overlay_start_2:
0x50: {  	(tag) =	ssettag $0x2  }
0x51: {  	s0 =	rddreg [dreg:$0x0];
	s2 =	stileid.u32  }
0x52: {  	s1 =	rddreg [dreg:$0x1];
	p0 =	sne.s32 s2, $0x0  }
0x53: {  	s3 =	rddreg [dreg:$0x2];
	[bflag:$0x3] =	sbarrier.arrive $0xFFFF;
	s2 =	simm.s32 @!p0 $0x1C01  }
0x54: {  	[timem:s3], [sflag:s2] =	dma.local @!p0 [hbm:s0], s1  }
0x55: {  	s0 =	simm.s32 @!p0 $0x1  }
0x56: {  	_ =	swait.ge @!p0 [sflag:s0], s1  }
0x57: {  	s1 =	ssub.s32 @!p0 $0x0, s1;
	[sflag:s0] =	ssyncset.done @!p0 $0x0  }
0x58: {  	[sflag:s0] =	ssyncadd.s32 @!p0 s1  }
0x59: {  	[bflag:$0x3] =	sbarrier.arrive $0xFFFF  }
0x5a: {  	_ =	shalt  }

// kernel: gather_offload_async_start.2
scs
__scs_entry_jumppad:
0x0: {  	(pc) =	sbr.rel $0x88, $3  }
0x1: {  	(tag) =	ssettag $0x0;
	lr =	simm.s32 $0x1  }
0x2: {  	[smem:$0x3F9E] =	sst lr;
	_ =	strace $0xD0000000  }
0x3: {  	_ = 	snop  }
0x4: {  	_ = 	snop  }
0x5: {  	_ = 	snop  }
0x6: {  	_ = 	snop  }
0x7: {  	_ = 	snop  }
__scs_overlays_trampoline_lowered:
0x8: {  	[smem:$0x3FAD] =	sst s0  }
0x9: {  	[smem:$0x3FAE] =	sst s1  }
0xa: {  	[smem:$0x3FAF] =	sst s2  }
0xb: {  	[smem:$0x3FB0] =	sst s3  }
0xc: {  	[smem:$0x3FB1] =	sst s4  }
0xd: {  	[smem:$0x3FB2] =	sst s5  }
0xe: {  	[smem:$0x3FB3] =	sst s6  }
0xf: {  	[smem:$0x3FB4] =	sst s7  }
0x10: {  	[smem:$0x3FB5] =	sst s8  }
0x11: {  	[smem:$0x3FB6] =	sst s9;
	s0 =	simm.s32 @!p0 $0x0  }
0x12: {  	s1 =	sld [smem:$0x3F9C];
	s0 =	simm.s32 @p0 $0x1  }
0x13: {  	[smem:$0x3FB7] =	sst s0;
	s0 =	simm.s32 @!p1 $0x0  }
0x14: {  	s2 =	sld [smem:$0x3F9B];
	s0 =	simm.s32 @p1 $0x1  }
0x15: {  	[smem:$0x3FB8] =	sst s0;
	s0 =	simm.s32 @!p2 $0x0  }
0x16: {  	s3 =	sld [smem:$0x3FDB];
	s0 =	simm.s32 @p2 $0x1  }
0x17: {  	s4 =	simm.s32 $0x1BF5;
	[smem:$0x3FBA] =	sst s0  }
0x18: {  	s0 =	sld [smem:$0x3F9D];
	_ =	swait.ge [sflag:s4], $0x0  }
0x19: {  	s7 =	sld [smem:$0x3F9E]  }
0x1a: {  	s8 =	sadd.s32 $0xFFFFE003, lr  }
0x1b: {  	s9 =	sadd.s32 $0xFFFFFEF7, lr;
	s5 =	simm.s32 $0xFFFFFFFF;
	p2 =	slt.u32 s8, $0xFFFFF086  }
0x1c: {  	p1 =	slt.u32 s9, $0xF7A;
	s5 =	simm.s32 @!p2 $0x0  }
0x1d: {  	s5 =	simm.s32 @p1 $0x1;
	p0 =	seq.s32 s7, s2  }
0x1e: {  	s7 =	smul.u32 @!p0 $0xF7A, s2;
	p2 =	seq.s32 @!p0 s5, $0x0  }
0x1f: {  	s9 =	smul.u32 $0xF7A, s1;
	s8 =	simm.s32 @!p0 $0x1BF5;
	p2 =	por !p2, p0  }
0x20: {  	[sflag:s8] =	ssyncset.s32 @!p0 $0xFFFFF086;
	s6 =	sadd.s32 @!p0 s3, s7;
	s7 =	simm.s32 @!p0 $0x108  }
0x21: {  	s3 =	sadd.s32 s3, s9;
	s6 =	sadd.s32 @!p0 $0x88, s6;
	s7 =	simm.s32 @p2 $0x1082  }
0x22: {  	[simem:s7], [sflag:s8] =	dma.local @!p0 [hbm:s6], $0xF7A  }
0x23: {  	s9 =	sor.u32 $0xD0000000, s2;
	s6 =	simm.s32 $0x108;
	_ =	swait.ge @!p0 [sflag:s8], $0x0  }
0x24: {  	s3 =	sadd.s32 $0x88, s3;
	s6 =	simm.s32 @!p1 $0x1082;
	[sflag:s4] =	ssyncset.s32 $0xFFFFF086  }
0x25: {  	[simem:s6], [sflag:s4] =	dma.local [hbm:s3], $0xF7A  }
0x26: {  	[smem:$0x3F9E] =	sst s1;
	(tag) =	ssettag s2;
	_ =	strace s9  }
0x27: {  	s1 =	sld [smem:$0x3FAE]  }
0x28: {  	s2 =	sld [smem:$0x3FAF]  }
0x29: {  	s4 =	sld [smem:$0x3FB1]  }
0x2a: {  	p0 =	seq.s32 s5, $0x0;
	s5 =	sld [smem:$0x3FB2]  }
0x2b: {  	s6 =	sld [smem:$0x3FB3]  }
0x2c: {  	s7 =	sld [smem:$0x3FB4]  }
0x2d: {  	s3 =	simm.s32 $0x108;
	s8 =	sld [smem:$0x3FB5]  }
0x2e: {  	s3 =	simm.s32 @!p0 $0x1082;
	s9 =	sld [smem:$0x3FB6]  }
0x2f: {  	lr =	sadd.s32 s0, s3;
	s0 =	sld [smem:$0x3FAD]  }
0x30: {  	s3 =	sld [smem:$0x3FB0]  }
0x31: {  	[smem:$0x3FB9] =	sst s10  }
0x32: {  	s10 =	sld [smem:$0x3FB7];
	_ =	sdelay $0x3  }
0x33: {  	p0 =	seq.s32 s10, $0x1;
	s10 =	sld [smem:$0x3FB9];
	_ =	sdelay $0x3  }
0x34: {  	[smem:$0x3FB9] =	sst s10  }
0x35: {  	s10 =	sld [smem:$0x3FB8];
	_ =	sdelay $0x3  }
0x36: {  	p1 =	seq.s32 s10, $0x1;
	s10 =	sld [smem:$0x3FB9];
	_ =	sdelay $0x3  }
0x37: {  	[smem:$0x3FB9] =	sst s10  }
0x38: {  	s10 =	sld [smem:$0x3FBA]  }
0x39: {  	_ = 	snop;
	(pc) =	sbr.ind lr, $3  }
0x3a: {  	_ = 	snop  }
0x3b: {  	_ = 	snop  }
0x3c: {  	p2 =	seq.s32 s10, $0x1;
	s10 =	sld [smem:$0x3FB9]  }
0x3d: {  	_ =	shalt  }
0x3e: {  	_ =	shalt  }
0x3f: {  	_ =	shalt  }
0x40: {  	_ =	shalt  }
0x41: {  	_ =	shalt  }
0x42: {  	_ =	shalt  }
0x43: {  	_ =	shalt  }
0x44: {  	_ =	shalt  }
0x45: {  	_ =	shalt  }
0x46: {  	_ =	shalt  }
0x47: {  	_ =	shalt  }
0x48: {  	_ =	shalt  }
0x49: {  	_ =	shalt  }
0x4a: {  	_ =	shalt  }
0x4b: {  	_ =	shalt  }
0x4c: {  	_ =	shalt  }
0x4d: {  	_ =	shalt  }
0x4e: {  	_ =	shalt  }
0x4f: {  	_ =	shalt  }
0x50: {  	_ =	shalt  }
0x51: {  	_ =	shalt  }
0x52: {  	_ =	shalt  }
0x53: {  	_ =	shalt  }
0x54: {  	_ =	shalt  }
0x55: {  	_ =	shalt  }
0x56: {  	_ =	shalt  }
0x57: {  	_ =	shalt  }
0x58: {  	_ =	shalt  }
0x59: {  	_ =	shalt  }
0x5a: {  	_ =	shalt  }
0x5b: {  	_ =	shalt  }
0x5c: {  	_ =	shalt  }
0x5d: {  	_ =	shalt  }
0x5e: {  	_ =	shalt  }
0x5f: {  	_ =	shalt  }
0x60: {  	_ =	shalt  }
0x61: {  	_ =	shalt  }
0x62: {  	_ =	shalt  }
0x63: {  	_ =	shalt  }
0x64: {  	_ =	shalt  }
0x65: {  	_ =	shalt  }
0x66: {  	_ =	shalt  }
0x67: {  	_ =	shalt  }
0x68: {  	_ =	shalt  }
0x69: {  	_ =	shalt  }
0x6a: {  	_ =	shalt  }
0x6b: {  	_ =	shalt  }
0x6c: {  	_ =	shalt  }
0x6d: {  	_ =	shalt  }
0x6e: {  	_ =	shalt  }
0x6f: {  	_ =	shalt  }
0x70: {  	_ =	shalt  }
0x71: {  	_ =	shalt  }
0x72: {  	_ =	shalt  }
0x73: {  	_ =	shalt  }
0x74: {  	_ =	shalt  }
0x75: {  	_ =	shalt  }
0x76: {  	_ =	shalt  }
0x77: {  	_ =	shalt  }
0x78: {  	_ =	shalt  }
0x79: {  	_ =	shalt  }
0x7a: {  	_ =	shalt  }
0x7b: {  	_ =	shalt  }
0x7c: {  	_ =	shalt  }
0x7d: {  	_ =	shalt  }
0x7e: {  	_ =	shalt  }
0x7f: {  	_ =	shalt  }
0x80: {  	_ =	shalt  }
0x81: {  	_ =	shalt  }
0x82: {  	_ =	shalt  }
0x83: {  	_ =	shalt  }
0x84: {  	_ =	shalt  }
0x85: {  	_ =	shalt  }
0x86: {  	_ =	shalt  }
0x87: {  	_ =	shalt  }
.Lfunc_end0:
.L_simem_size_0:
called_computation.3_lowered:
.L_overlay_start_0:
0x88: {  	s0 =	sld [smem:$0x3FD9]  }
0x89: {  	s1 =	sld [smem:$0x3FFE];
	_ =	sdelay $0x3  }
0x8a: {  	s0 =	sadd.s32 s1, s0  }
0x8b: {  	[smem:$0x3FC5] =	sst s0  }
0x8c: {  	_ = 	snop  }
0x8d: {  	s0 =	sld [smem:$0x3FD0];
	_ =	sdelay $0x2  }
0x8e: {  	s13 =	simm.s32 $0xB;
	s2 =	simm.s32 $0x10  }
0x8f: {  	[smem:s2], [sflag:s13] =	dma.local [hbm:s0], $0x1  }
0x90: {  	_ =	swait.eq [sflag:s13], $0x1  }
0x91: {  	[sflag:s13] =	ssyncset.done $0x0  }
0x92: {  	[sflag:s13] =	ssyncadd.s32 $0xFFFFFFFF  }
0x93: {  	s14 =	sld [smem:$0x10];
	(tm) =	ssettm $0x1  }
0x94: {  	s15 =	sld [smem:$0x3FFB];
	_ =	sdelay $0x3  }
0x95: {  	_ =	strace s15  }
0x96: {  	s1 =	sld [smem:$0x3FFC];
	_ =	sdelay $0x3  }
0x97: {  	_ =	strace s1  }
0x98: {  	s1 =	sld [smem:$0x3FFD];
	_ =	sdelay $0x3  }
0x99: {  	_ =	strace s1  }
0x9a: {  	_ =	strace $0x8FFFFFFF  }
0x9b: {  	s16 =	sld [smem:$0x3FDB];
	_ =	sdelay $0x1  }
0x9c: {  	s17 =	simm.s32 $_scs_section_size  }
0x9d: {  	s3 =	simm.s32 $_size__tile_overlayer_lowered;
	s4 =	simm.s32 $_tile_overlayer_lowered  }
0x9e: {  	s20 =	simm.s32 $0x1BFF;
	s19 =	sshll.u32 s4, $0x1;
	s1 =	sadd.s32 s17, s16  }
0x9f: {  	s5 =	simm.s32 $0x0;
	s18 =	sshll.u32 s3, $0x1;
	s3 =	sadd.s32 s19, s1  }
0xa0: {  	[timem:s5], [sflag:s20] =	dma.local [hbm:s3], s18  }
0xa1: {  	_ =	swait.ge [sflag:s20], s18  }
0xa2: {  	s2 =	ssub.s32 $0x0, s18;
	[sflag:s20] =	ssyncset.done $0x0  }
0xa3: {  	[sflag:s20] =	ssyncadd.s32 s2;
	_ =	sdelay $0x1  }
0xa4: {  	s21 =	simm.s32 $0x1B8B  }
0xa5: {  	_ =	swait.ge [sflag:s21], $0x1  }
0xa6: {  	[sflag:s21] =	ssyncset.done $0x0  }
0xa7: {  	s23 =	simm.s32 $0x1B8E;
	s22 =	sld [smem:$0x3FFE];
	[sflag:s21] =	ssyncadd.s32 $0xFFFFFFFF  }
0xa8: {  	s24 =	simm.s32 $execute0_lowered;
	[smem:$0x3FD2] =	sst s23  }
0xa9: {  	s3 =	sshll.u32 s24, $0x1;
	_ =	strace $0x80000049;
	[dreg:$0x1] =	wrdreg $0xFFFFFFFF  }
0xaa: {  	s25 =	simm.s32 $_size_execute0_lowered;
	s1 =	sadd.s32 s1, s3;
	[dreg:$0x0] =	wrdreg $0x0  }
0xab: {  	s3 =	sshll.u32 s25, $0x1;
	[dreg:$0x2] =	wrdreg s1  }
0xac: {  	[dreg:$0x3] =	wrdreg s3  }
0xad: {  	[dreg:$0x4] =	wrdreg $0xC0  }
0xae: {  	_ =	task [dreg:s5], $0x5FFFF  }
0xaf: {  	[dreg:$0x1] =	wrdreg $0xFFFFFFFF  }
0xb0: {  	[dreg:$0x0] =	wrdreg $0x60  }
0xb1: {  	[dreg:$0x2] =	wrdreg s14  }
0xb2: {  	[dreg:$0x3] =	wrdreg s22  }
0xb3: {  	[dreg:$0x4] =	wrdreg $0xA  }
0xb4: {  	_ =	task.clear_ibuf [dreg:s5], $0x5FFFF;
	_ =	strace $0x90000049  }
0xb5: {  	s26 =	simm.s32 $0xA;
	_ =	strace $0x8000004B  }
0xb6: {  	_ =	swait.ge [sflag:s26], $0x1  }
0xb7: {  	[sflag:s26] =	ssyncadd.s32 $0xFFFFFFFF  }
0xb8: {  	_ =	strace $0x9000004B  }
0xb9: {  	_ =	sfence  }
0xba: {  	s28 =	sld [smem:$0x0];
	_ =	sdelay $0x1  }
0xbb: {  	s29 =	srdreg.scid  }
0xbc: {  	s30 =	sshll.u32 s29, $0xD;
	s31 =	sshrl.u32 s29, $0x2  }
0xbd: {  	s2 =	sand.u32 $0x4000, s30;
	s1 =	sand.u32 $0x1, s29;
	s0 =	sadd.s32 s31, s28  }
0xbe: {  	s1 =	sor.u32 s2, s1;
	s0 =	sshll.u32 s0, $0x11  }
0xbf: {  	s0 =	sor.u32 s0, s1  }
0xc0: {  	s0 =	sadd.s32 $0x8F2B, s0  }
0xc1: {  	[sflag:s0] =	ssyncadd.remote.s32 $0x1  }
0xc2: {  	_ =	sfence.sel $0xFFFF  }
0xc3: {  	[dreg:$0x0] =	wrdreg $0xFFFFFFFF;
	(pc) =	sbr.abs _section_cstart, $3  }
0xc4: {  	[dreg:$0x1] =	wrdreg $0xFFFFFFFF  }
0xc5: {  	_ =	task.clear_ibuf [dreg:s5], $0x2FFFF;
	_ =	strace $0x9FFFFFFF  }
0xc6: {  	(tm) =	ssettm $0x7FFFFFFF  }
0xc7: {  	_ =	shalt  }
tec
execute0_lowered:
.L_overlay_start_1:
0x0: {  	(tag) =	ssettag $0x1  }
0x1: {  	s2 =	rddreg [dreg:$0x0]  }
0x2: {  	s8 =	rddreg [dreg:$0x1]  }
0x3: {  	s0 =	rddreg [dreg:$0x2]  }
0x4: {  	_ =	strace $0x8000004A;
	s4 =	simm.s32 $0x1;
	s1 =	stileid.u32  }
0x5: {  	s7 =	simm.s32 $0x1;
	s9 =	simm.s32 $0x1;
	s6 =	simm.s32 $0x2  }
0x6: {  	s10 =	simm.s32 $0x3;
	s13 =	simm.s32 $0x0;
	s12 =	simm.s32 $0x0  }
.Ltmp0:
0x7: {  	s3 =	sadd.s32 $0x800, s8;
	p0 =	slt.u32 s1, $0xC;
	(pc) =	sbr.rel .LBB2_1-.Ltmp0, $4  }
0x8: {  	[sflag:s4] =	ssyncpa.u1 $0x0;
	s7 =	simm.s32 @!p0 $0x0;
	p0 =	sne.s32 s1, $0xB  }
0x9: {  	s5 =	smul.u32 $0x50, s1;
	[sflag:s6] =	ssyncpa.u1 $0x0;
	s9 =	simm.s32 @!p0 $0x0  }
0xa: {  	s8 =	sadd.s32 $0xA00, s8;
	[sflag:s10] =	ssyncpa.u1 $0x0;
	s7 =	sadd.s32 s9, s7  }
0xb: {  	vm0 =	vmmov $0xffff;
	s10 =	simm.s32 $0x0;
	s11 =	smov.u32 s5;
	s9 =	sadd.s32 $0x1, s7  }
.LBB2_4:
0xc: {  	v5 =	vshll.u32 v1, $0x4  }
0xd: {  	vm1 =	veq.s32 v1, $0x80000000;
	v60 =	vand.u32 $0x7, v1;
	v5 =	vand.u32 $0xFF80, v5  }
0xe: {  	v1 =	vsel vm1, $0xFFFFFFFF, v60;
	v5 =	vsel vm1, $0xFFFFFF80, v5  }
0xf: {  	v3 =	vor.u32 v4, v3;
	v6 =	vand.u32 $0xFFFFFC00, v1;
	v61 =	vand.u32 $0xFFFFFC00, v5  }
0x10: {  	v2 =	vor.u32 v2, v3;
	v63 =	vand.u32 $0x380, v5;
	v62 =	vadd.s32 v6, v61  }
0x11: {  	v1 =	vand.u32 $0x7F, v1;
	v3 =	vor.u32 v63, v62  }
0x12: {  	v1 =	vor.u32 v1, v3  }
0x13: {  	[tilespmem:s17], [sflag:$0x1] =	stream.indirect_vreg.gather [hbm4b:s2+s10], $0x1, v0, vm0, $0x4038;
	[tilespmem:$0x140] =	vst v63  }
0x14: {  	(ifvalue) =	ssetifvalue $0x7FFFFFFF  }
0x15: {  	[tilespmem:s15], [sflag:$0x1] =	stream.indirect_vreg.gather [hbm4b:s2+s10], $0x1, v2, vm0, $0x4038;
	[tilespmem:$0x140] =	vst v63  }
0x16: {  	s29 =	sadd.s32 $0x10, s15;
	(ifvalue) =	ssetifvalue $0x7FFFFFFF  }
0x17: {  	[tilespmem:s29], [sflag:$0x1] =	stream.indirect_vreg.gather [hbm4b:s2+s10], $0x1, v1, vm0, $0x4038;
	[tilespmem:$0x140] =	vst v63  }
0x18: {  	_ =	swait.ge [sflag:s4], $0x50  }
0x19: {  	s30 =	sshrl.u32 s13, $0x3;
	[sflag:s4] =	ssyncset.done $0x0  }
0x1a: {  	s31 =	sand.u32 $0x7, s13;
	s15 =	sadd.s32 s8, s30;
	[sflag:s4] =	ssyncadd.s32 $0xFFFFFFB0  }
0x1b: {  	[hbm4b:s15+s31] =	stream.linear.scatter [tilespmem:s14], [sflag:$0x3], $0x50, $0x38;
	[tilespmem:$0x140] =	vst v63  }
.LBB2_5:
0x1c: {  	s15 =	sadd.s32 $0x500, s11  }
0x1d: {  	p1 =	sgt.s32 s15, $0x86F  }
0x1e: {  	s15 =	smov.u32 @p1 s5;
	p1 =	sne.s32 s12, s9  }
.Ltmp1:
0x1f: {  	p0 =	slt.u32 s12, $0x2;
	(pc) =	sbr.rel @!p1 .LBB2_6-.Ltmp1, $4  }
0x20: {  	s14 =	simm.s32 @!p0 $0x3  }
0x21: {  	_ =	swait.ge @!p0 [sflag:s14], $0x50  }
0x22: {  	s16 =	sadd.s32 $0x1, s12;
	s13 =	smov.u32 s11;
	[sflag:s14] =	ssyncset.done @!p0 $0x0  }
0x23: {  	s12 =	smov.u32 s16;
	s11 =	smov.u32 s15;
	[sflag:s14] =	ssyncadd.s32 @!p0 $0xFFFFFFB0  }
.LBB2_1:
0x24: {  	p0 =	sge.u32 s12, s7  }
0x25: {  	s14 =	sxor.u32 @!p0 $0x1, s12  }
0x26: {  	s14 =	smul.u32 @!p0 $0x140, s14  }
0x27: {  	s31 =	sadd.s32 $0xFFFFFFFF, s12;
	s15 =	sshrl.u32 @!p0 s11, $0x3  }
0x28: {  	s16 =	sand.u32 @!p0 $0x7, s11;
	s15 =	sadd.s32 @!p0 s3, s15;
	s14 =	sshra.s32 @!p0 s14, $0x2  }
0x29: {  	[tilespmem:s14], [sflag:$0x2] =	stream.linear.gather @!p0 [hbm4b:s15+s16], $0x50, $0x38;
	[tilespmem:$0x140] =	vst v63  }
0x2a: {  	p0 =	sge.u32 s31, s7  }
.Ltmp2:
0x2b: {  	_ = 	snop;
	(pc) =	sbr.rel @p0 .LBB2_5-.Ltmp2, $1  }
0x2c: {  	_ =	sdelay $0x3  }
0x2d: {  	s14 =	sand.u32 $0x1, s12  }
0x2e: {  	_ =	swait.ge [sflag:s6], $0x50;
	p0 =	seq.s32 s14, $0x1;
	s14 =	simm.s32 $0x50  }
0x2f: {  	[sflag:s6] =	ssyncset.done $0x0;
	s14 =	simm.s32 @!p0 $0x0  }
0x30: {  	[sflag:s6] =	ssyncadd.s32 $0xFFFFFFB0;
	(ifvalue) =	ssetifvalue $0x7FFFFFFF;
	v0 =	vld.msk [tilespmem:s14+$0x0 ss:$0x1], $0xffff;
	_ =	sdelay $0x4  }
0x31: {  	s15 =	sadd.s32 $0x10, s14;
	v2 =	vshll.u32 v0, $0x4  }
0x32: {  	v1 =	vld.msk [tilespmem:s15+$0x0 ss:$0x1], $0xffff;
	vm1 =	veq.s32 v0, $0x80000000;
	v0 =	vand.u32 $0x7, v0;
	v2 =	vand.u32 $0xFF80, v2  }
0x33: {  	v0 =	vsel vm1, $0xFFFFFFFF, v0;
	v2 =	vsel vm1, $0xFFFFFF80, v2  }
0x34: {  	v3 =	vand.u32 $0x7F, v0;
	v0 =	vand.u32 $0xFFFFFC00, v0;
	v4 =	vand.u32 $0xFFFFFC00, v2  }
0x35: {  	v2 =	vand.u32 $0x380, v2;
	v0 =	vadd.s32 v0, v4  }
0x36: {  	v0 =	vor.u32 v2, v0  }
0x37: {  	v4 =	vshll.u32 v1, $0x4;
	v0 =	vor.u32 v3, v0  }
0x38: {  	vm1 =	veq.s32 v1, $0x80000000;
	v1 =	vand.u32 $0x7, v1;
	v4 =	vand.u32 $0xFF80, v4  }
0x39: {  	s14 =	sor.u32 $0xA0, s14;
	s15 =	sadd.s32 $0x10, s15;
	v2 =	vsel vm1, $0xFFFFFFFF, v1;
	v4 =	vsel vm1, $0xFFFFFF80, v4  }
0x3a: {  	s16 =	simm.s32 $0x20;
	s17 =	smov.u32 s14;
	v1 =	vld.msk [tilespmem:s15+$0x0 ss:$0x1], $0xffff;
	v5 =	vand.u32 $0xFFFFFC00, v2;
	v3 =	vand.u32 $0xFFFFFC00, v4  }
0x3b: {  	s18 =	sadd.s32 $0x10, s15;
	(ifvalue) =	ssetifvalue $0x7FFFFFFF;
	s15 =	sadd.s32 $0x10, s14;
	v2 =	vand.u32 $0x7F, v2;
	v4 =	vand.u32 $0x380, v4;
	v3 =	vadd.s32 v5, v3  }
.LBB2_3:
0x3c: {  	[tilespmem:s17], [sflag:$0x1] =	stream.indirect_vreg.gather [hbm4b:s2+s10], $0x1, v0, vm0, $0x4038;
	[tilespmem:$0x140] =	vst v63  }
0x3d: {  	s16 =	sadd.s32 $0x10, s16  }
0x3e: {  	v3 =	vor.u32 v4, v3;
	p0 =	slt.u32 s16, $0x40  }
.Ltmp3:
0x3f: {  	v4 =	vshll.u32 v1, $0x4;
	s17 =	smov.u32 s15;
	v0 =	vor.u32 v2, v3;
	v2 =	vmov v1;
	v1 =	vld.msk [tilespmem:s18+$0x0 ss:$0x1], $0xffff;
	(pc) =	sbr.rel @p0 .LBB2_3-.Ltmp3, $4  }
0x40: {  	v3 =	vand.u32 $0xFF80, v4;
	vm1 =	veq.s32 v2, $0x80000000;
	v2 =	vand.u32 $0x7, v2  }
0x41: {  	v4 =	vsel vm1, $0xFFFFFFFF, v2;
	v5 =	vsel vm1, $0xFFFFFF80, v3  }
0x42: {  	v2 =	vand.u32 $0x7F, v4;
	v3 =	vand.u32 $0xFFFFFC00, v5;
	v4 =	vand.u32 $0xFFFFFC00, v4  }
0x43: {  	s15 =	sadd.s32 $0x10, s15;
	s18 =	sadd.s32 $0x10, s18;
	v3 =	vadd.s32 v4, v3;
	v4 =	vand.u32 $0x380, v5;
	(ifvalue) =	ssetifvalue $0x7FFFFFFF  }
.Ltmp4:
0x44: {  	_ = 	snop;
	(pc) =	sbr.rel .LBB2_4-.Ltmp4, $1  }
0x45: {  	_ =	sdelay $0x3  }
.LBB2_6:
0x46: {  	_ =	sfence.sel $0x180000  }
0x47: {  	s2 =	simm.s32 $0x2;
	[bflag:$0x0] =	sbarrier.arrive $0xFFFF  }
0x48: {  	s30 =	simm.s32 $0x3;
	[sflag:s2] =	ssyncpa.u1 $0x1  }
0x49: {  	s31 =	simm.s32 $0x1;
	[sflag:s30] =	ssyncpa.u1 $0x1  }
0x4a: {  	[sflag:s31] =	ssyncpa.u1 $0x1  }
0x4b: {  	p0 =	sne.s32 s1, $0x0;
	_ =	strace $0x9000004A  }
0x4c: {  	s0 =	sadd.s32 @!p0 $0x100000, s0;
	[bflag:$0x2] =	sbarrier.arrive $0xFFFF  }
0x4d: {  	[sflag:s0] =	ssyncadd.tile.s32 @!p0 $0x1;
	_ =	shalt  }
.Lfunc_end2:
_tile_overlayer_lowered:
.L_overlay_start_2:
0x4e: {  	(tag) =	ssettag $0x2  }
0x4f: {  	s0 =	rddreg [dreg:$0x0];
	s2 =	stileid.u32  }
0x50: {  	s1 =	rddreg [dreg:$0x1];
	p0 =	sne.s32 s2, $0x0  }
0x51: {  	s3 =	rddreg [dreg:$0x2];
	[bflag:$0x3] =	sbarrier.arrive $0xFFFF;
	s2 =	simm.s32 @!p0 $0x1C01  }
0x52: {  	[timem:s3], [sflag:s2] =	dma.local @!p0 [hbm:s0], s1  }
0x53: {  	s0 =	simm.s32 @!p0 $0x1  }
0x54: {  	_ =	swait.ge @!p0 [sflag:s0], s1  }
0x55: {  	s1 =	ssub.s32 @!p0 $0x0, s1;
	[sflag:s0] =	ssyncset.done @!p0 $0x0  }
0x56: {  	[sflag:s0] =	ssyncadd.s32 @!p0 s1  }
0x57: {  	[bflag:$0x3] =	sbarrier.arrive $0xFFFF  }
0x58: {  	_ =	shalt  }

// kernel: gather_offload_async_start
scs
__scs_entry_jumppad:
0x0: {  	(pc) =	sbr.rel $0x88, $3  }
0x1: {  	(tag) =	ssettag $0x0;
	lr =	simm.s32 $0x1  }
0x2: {  	[smem:$0x3F9E] =	sst lr;
	_ =	strace $0xD0000000  }
0x3: {  	_ = 	snop  }
0x4: {  	_ = 	snop  }
0x5: {  	_ = 	snop  }
0x6: {  	_ = 	snop  }
0x7: {  	_ = 	snop  }
__scs_overlays_trampoline_lowered:
0x8: {  	[smem:$0x3FAD] =	sst s0  }
0x9: {  	[smem:$0x3FAE] =	sst s1  }
0xa: {  	[smem:$0x3FAF] =	sst s2  }
0xb: {  	[smem:$0x3FB0] =	sst s3  }
0xc: {  	[smem:$0x3FB1] =	sst s4  }
0xd: {  	[smem:$0x3FB2] =	sst s5  }
0xe: {  	[smem:$0x3FB3] =	sst s6  }
0xf: {  	[smem:$0x3FB4] =	sst s7  }
0x10: {  	[smem:$0x3FB5] =	sst s8  }
0x11: {  	[smem:$0x3FB6] =	sst s9;
	s0 =	simm.s32 @!p0 $0x0  }
0x12: {  	s1 =	sld [smem:$0x3F9C];
	s0 =	simm.s32 @p0 $0x1  }
0x13: {  	[smem:$0x3FB7] =	sst s0;
	s0 =	simm.s32 @!p1 $0x0  }
0x14: {  	s2 =	sld [smem:$0x3F9B];
	s0 =	simm.s32 @p1 $0x1  }
0x15: {  	[smem:$0x3FB8] =	sst s0;
	s0 =	simm.s32 @!p2 $0x0  }
0x16: {  	s3 =	sld [smem:$0x3FDB];
	s0 =	simm.s32 @p2 $0x1  }
0x17: {  	s4 =	simm.s32 $0x1BF5;
	[smem:$0x3FBA] =	sst s0  }
0x18: {  	s0 =	sld [smem:$0x3F9D];
	_ =	swait.ge [sflag:s4], $0x0  }
0x19: {  	s7 =	sld [smem:$0x3F9E]  }
0x1a: {  	s8 =	sadd.s32 $0xFFFFE003, lr  }
0x1b: {  	s9 =	sadd.s32 $0xFFFFFEF7, lr;
	s5 =	simm.s32 $0xFFFFFFFF;
	p2 =	slt.u32 s8, $0xFFFFF086  }
0x1c: {  	p1 =	slt.u32 s9, $0xF7A;
	s5 =	simm.s32 @!p2 $0x0  }
0x1d: {  	s5 =	simm.s32 @p1 $0x1;
	p0 =	seq.s32 s7, s2  }
0x1e: {  	s7 =	smul.u32 @!p0 $0xF7A, s2;
	p2 =	seq.s32 @!p0 s5, $0x0  }
0x1f: {  	s9 =	smul.u32 $0xF7A, s1;
	s8 =	simm.s32 @!p0 $0x1BF5;
	p2 =	por !p2, p0  }
0x20: {  	[sflag:s8] =	ssyncset.s32 @!p0 $0xFFFFF086;
	s6 =	sadd.s32 @!p0 s3, s7;
	s7 =	simm.s32 @!p0 $0x108  }
0x21: {  	s3 =	sadd.s32 s3, s9;
	s6 =	sadd.s32 @!p0 $0x88, s6;
	s7 =	simm.s32 @p2 $0x1082  }
0x22: {  	[simem:s7], [sflag:s8] =	dma.local @!p0 [hbm:s6], $0xF7A  }
0x23: {  	s9 =	sor.u32 $0xD0000000, s2;
	s6 =	simm.s32 $0x108;
	_ =	swait.ge @!p0 [sflag:s8], $0x0  }
0x24: {  	s3 =	sadd.s32 $0x88, s3;
	s6 =	simm.s32 @!p1 $0x1082;
	[sflag:s4] =	ssyncset.s32 $0xFFFFF086  }
0x25: {  	[simem:s6], [sflag:s4] =	dma.local [hbm:s3], $0xF7A  }
0x26: {  	[smem:$0x3F9E] =	sst s1;
	(tag) =	ssettag s2;
	_ =	strace s9  }
0x27: {  	s1 =	sld [smem:$0x3FAE]  }
0x28: {  	s2 =	sld [smem:$0x3FAF]  }
0x29: {  	s4 =	sld [smem:$0x3FB1]  }
0x2a: {  	p0 =	seq.s32 s5, $0x0;
	s5 =	sld [smem:$0x3FB2]  }
0x2b: {  	s6 =	sld [smem:$0x3FB3]  }
0x2c: {  	s7 =	sld [smem:$0x3FB4]  }
0x2d: {  	s3 =	simm.s32 $0x108;
	s8 =	sld [smem:$0x3FB5]  }
0x2e: {  	s3 =	simm.s32 @!p0 $0x1082;
	s9 =	sld [smem:$0x3FB6]  }
0x2f: {  	lr =	sadd.s32 s0, s3;
	s0 =	sld [smem:$0x3FAD]  }
0x30: {  	s3 =	sld [smem:$0x3FB0]  }
0x31: {  	[smem:$0x3FB9] =	sst s10  }
0x32: {  	s10 =	sld [smem:$0x3FB7];
	_ =	sdelay $0x3  }
0x33: {  	p0 =	seq.s32 s10, $0x1;
	s10 =	sld [smem:$0x3FB9];
	_ =	sdelay $0x3  }
0x34: {  	[smem:$0x3FB9] =	sst s10  }
0x35: {  	s10 =	sld [smem:$0x3FB8];
	_ =	sdelay $0x3  }
0x36: {  	p1 =	seq.s32 s10, $0x1;
	s10 =	sld [smem:$0x3FB9];
	_ =	sdelay $0x3  }
0x37: {  	[smem:$0x3FB9] =	sst s10  }
0x38: {  	s10 =	sld [smem:$0x3FBA]  }
0x39: {  	_ = 	snop;
	(pc) =	sbr.ind lr, $3  }
0x3a: {  	_ = 	snop  }
0x3b: {  	_ = 	snop  }
0x3c: {  	p2 =	seq.s32 s10, $0x1;
	s10 =	sld [smem:$0x3FB9]  }
0x3d: {  	_ =	shalt  }
0x3e: {  	_ =	shalt  }
0x3f: {  	_ =	shalt  }
0x40: {  	_ =	shalt  }
0x41: {  	_ =	shalt  }
0x42: {  	_ =	shalt  }
0x43: {  	_ =	shalt  }
0x44: {  	_ =	shalt  }
0x45: {  	_ =	shalt  }
0x46: {  	_ =	shalt  }
0x47: {  	_ =	shalt  }
0x48: {  	_ =	shalt  }
0x49: {  	_ =	shalt  }
0x4a: {  	_ =	shalt  }
0x4b: {  	_ =	shalt  }
0x4c: {  	_ =	shalt  }
0x4d: {  	_ =	shalt  }
0x4e: {  	_ =	shalt  }
0x4f: {  	_ =	shalt  }
0x50: {  	_ =	shalt  }
0x51: {  	_ =	shalt  }
0x52: {  	_ =	shalt  }
0x53: {  	_ =	shalt  }
0x54: {  	_ =	shalt  }
0x55: {  	_ =	shalt  }
0x56: {  	_ =	shalt  }
0x57: {  	_ =	shalt  }
0x58: {  	_ =	shalt  }
0x59: {  	_ =	shalt  }
0x5a: {  	_ =	shalt  }
0x5b: {  	_ =	shalt  }
0x5c: {  	_ =	shalt  }
0x5d: {  	_ =	shalt  }
0x5e: {  	_ =	shalt  }
0x5f: {  	_ =	shalt  }
0x60: {  	_ =	shalt  }
0x61: {  	_ =	shalt  }
0x62: {  	_ =	shalt  }
0x63: {  	_ =	shalt  }
0x64: {  	_ =	shalt  }
0x65: {  	_ =	shalt  }
0x66: {  	_ =	shalt  }
0x67: {  	_ =	shalt  }
0x68: {  	_ =	shalt  }
0x69: {  	_ =	shalt  }
0x6a: {  	_ =	shalt  }
0x6b: {  	_ =	shalt  }
0x6c: {  	_ =	shalt  }
0x6d: {  	_ =	shalt  }
0x6e: {  	_ =	shalt  }
0x6f: {  	_ =	shalt  }
0x70: {  	_ =	shalt  }
0x71: {  	_ =	shalt  }
0x72: {  	_ =	shalt  }
0x73: {  	_ =	shalt  }
0x74: {  	_ =	shalt  }
0x75: {  	_ =	shalt  }
0x76: {  	_ =	shalt  }
0x77: {  	_ =	shalt  }
0x78: {  	_ =	shalt  }
0x79: {  	_ =	shalt  }
0x7a: {  	_ =	shalt  }
0x7b: {  	_ =	shalt  }
0x7c: {  	_ =	shalt  }
0x7d: {  	_ =	shalt  }
0x7e: {  	_ =	shalt  }
0x7f: {  	_ =	shalt  }
0x80: {  	_ =	shalt  }
0x81: {  	_ =	shalt  }
0x82: {  	_ =	shalt  }
0x83: {  	_ =	shalt  }
0x84: {  	_ =	shalt  }
0x85: {  	_ =	shalt  }
0x86: {  	_ =	shalt  }
0x87: {  	_ =	shalt  }
.Lfunc_end0:
.L_simem_size_0:
called_computation.1_lowered:
.L_overlay_start_0:
0x88: {  	s2 =	sld [smem:$0x3FD9]  }
0x89: {  	s3 =	sld [smem:$0x3FFE];
	_ =	sdelay $0x1  }
0x8a: {  	s1 =	srdreg.scid  }
0x8b: {  	s0 =	sand.u32 $0x1, s1  }
0x8c: {  	s17 =	sshll.u32 s0, $0xA;
	s2 =	sadd.s32 s3, s2  }
0x8d: {  	s2 =	sadd.s32 s2, s17  }
0x8e: {  	[smem:$0x3FC5] =	sst s2  }
0x8f: {  	_ = 	snop  }
0x90: {  	(tm) =	ssettm $0x1  }
0x91: {  	s18 =	sld [smem:$0x3FFB];
	_ =	sdelay $0x3  }
0x92: {  	_ =	strace s18  }
0x93: {  	s2 =	sld [smem:$0x3FFC];
	_ =	sdelay $0x3  }
0x94: {  	_ =	strace s2  }
0x95: {  	s2 =	sld [smem:$0x3FFD];
	_ =	sdelay $0x3  }
0x96: {  	_ =	strace s2  }
0x97: {  	_ =	strace $0x8FFFFFFF  }
0x98: {  	s19 =	sld [smem:$0x3FDB];
	_ =	sdelay $0x1  }
0x99: {  	s20 =	simm.s32 $_scs_section_size  }
0x9a: {  	s4 =	simm.s32 $_size__tile_overlayer_lowered;
	s5 =	simm.s32 $_tile_overlayer_lowered  }
0x9b: {  	s6 =	simm.s32 $0x1BFF;
	s21 =	sshll.u32 s5, $0x1;
	s3 =	sadd.s32 s20, s19  }
0x9c: {  	s22 =	simm.s32 $0x0;
	s4 =	sshll.u32 s4, $0x1;
	s5 =	sadd.s32 s21, s3  }
0x9d: {  	[timem:s22], [sflag:s6] =	dma.local [hbm:s5], s4  }
0x9e: {  	_ =	swait.ge [sflag:s6], s4  }
0x9f: {  	s4 =	ssub.s32 $0x0, s4;
	[sflag:s6] =	ssyncset.done $0x0  }
0xa0: {  	[sflag:s6] =	ssyncadd.s32 s4;
	_ =	sdelay $0x1  }
0xa1: {  	s23 =	simm.s32 $0x1B8B  }
0xa2: {  	_ =	swait.ge [sflag:s23], $0x1  }
0xa3: {  	[sflag:s23] =	ssyncset.done $0x0  }
0xa4: {  	[sflag:s23] =	ssyncadd.s32 $0xFFFFFFFF  }
0xa5: {  	s4 =	sld [smem:$0x0]  }
0xa6: {  	s5 =	sand.u32 $0xFFFFFFFE, s1  }
0xa7: {  	p0 =	sne.s32 s1, s5  }
0xa8: {  	s5 =	sshll.u32 @p0 s5, $0xE  }
0xa9: {  	s5 =	sadd.s32 @p0 $0x11B8D, s5;
	s6 =	sshll.u32 @p0 s4, $0x11  }
0xaa: {  	s5 =	sor.u32 @p0 s6, s5  }
0xab: {  	[sflag:s5] =	ssyncadd.remote.s32 @p0 $0x1;
	_ =	sdelay $0x1  }
0xac: {  	s5 =	simm.s32 @p0 $0x1B8D  }
0xad: {  	_ =	swait.eq @p0 [sflag:s5], $0x1  }
0xae: {  	[sflag:s5] =	ssyncadd.s32 @p0 $0xFFFFFFFF  }
0xaf: {  	s6 =	sshll.u32 @!p0 s1, $0xE  }
0xb0: {  	s6 =	sor.u32 @!p0 $0x4000, s6;
	s5 =	simm.s32 @!p0 $0x1B8D  }
0xb1: {  	s4 =	sshll.u32 @!p0 s4, $0x11;
	s6 =	sadd.s32 @!p0 $0x11B8D, s6;
	_ =	swait.eq @!p0 [sflag:s5], $0x1  }
0xb2: {  	s4 =	sor.u32 @!p0 s4, s6;
	[sflag:s5] =	ssyncadd.s32 @!p0 $0xFFFFFFFF  }
0xb3: {  	s25 =	simm.s32 $0x1B8E;
	s24 =	sld [smem:$0x3FFE];
	[sflag:s4] =	ssyncadd.remote.s32 @!p0 $0x1  }
0xb4: {  	s26 =	simm.s32 $execute0_lowered;
	[smem:$0x3FD2] =	sst s25  }
0xb5: {  	s5 =	sshll.u32 s26, $0x1;
	_ =	strace $0x8000004C;
	[dreg:$0x1] =	wrdreg $0xFFFFFFFF  }
0xb6: {  	s28 =	simm.s32 $_size_execute0_lowered;
	s3 =	sadd.s32 s3, s5;
	[dreg:$0x0] =	wrdreg $0x0  }
0xb7: {  	s5 =	sshll.u32 s28, $0x1;
	[dreg:$0x2] =	wrdreg s3  }
0xb8: {  	[dreg:$0x3] =	wrdreg s5  }
0xb9: {  	[dreg:$0x4] =	wrdreg $0xC0  }
0xba: {  	_ =	task [dreg:s22], $0x5FFFF  }
0xbb: {  	[dreg:$0x1] =	wrdreg $0xFFFFFFFF  }
0xbc: {  	[dreg:$0x0] =	wrdreg $0x60  }
0xbd: {  	[dreg:$0x2] =	wrdreg s24  }
0xbe: {  	[dreg:$0x3] =	wrdreg $0x9  }
0xbf: {  	_ =	task.clear_ibuf [dreg:s22], $0x4FFFF;
	_ =	strace $0x9000004C  }
0xc0: {  	s29 =	simm.s32 $0x9;
	_ =	strace $0x8000004E  }
0xc1: {  	_ =	swait.ge [sflag:s29], $0x1  }
0xc2: {  	[sflag:s29] =	ssyncadd.s32 $0xFFFFFFFF  }
0xc3: {  	_ =	strace $0x9000004E  }
0xc4: {  	_ =	sfence  }
0xc5: {  	s30 =	sld [smem:$0x0];
	_ =	sdelay $0x2  }
0xc6: {  	s31 =	sshll.u32 s1, $0xD;
	s1 =	sshrl.u32 s1, $0x2  }
0xc7: {  	s4 =	sand.u32 $0x4000, s31;
	s1 =	sadd.s32 s1, s30  }
0xc8: {  	s0 =	sor.u32 s4, s0;
	s1 =	sshll.u32 s1, $0x11  }
0xc9: {  	s0 =	sor.u32 s1, s0  }
0xca: {  	s0 =	sadd.s32 $0x8F2B, s0  }
0xcb: {  	[sflag:s0] =	ssyncadd.remote.s32 $0x1  }
0xcc: {  	_ =	sfence.sel $0xFFFF  }
0xcd: {  	[dreg:$0x0] =	wrdreg $0xFFFFFFFF;
	(pc) =	sbr.abs _section_cstart, $3  }
0xce: {  	[dreg:$0x1] =	wrdreg $0xFFFFFFFF  }
0xcf: {  	_ =	task.clear_ibuf [dreg:s22], $0x2FFFF;
	_ =	strace $0x9FFFFFFF  }
0xd0: {  	(tm) =	ssettm $0x7FFFFFFF  }
0xd1: {  	_ =	shalt  }
tec
execute0_lowered:
.L_overlay_start_1:
0x0: {  	(tag) =	ssettag $0x1  }
0x1: {  	s2 =	rddreg [dreg:$0x0]  }
0x2: {  	s0 =	rddreg [dreg:$0x1]  }
0x3: {  	s1 =	srdreg.scid;
	_ =	strace $0x8000004D;
	s4 =	simm.s32 $0x1  }
0x4: {  	s9 =	simm.s32 $0x3;
	s11 =	simm.s32 $0x0;
	s5 =	sshll.u32 s1, $0x4  }
.Ltmp0:
0x5: {  	s1 =	stileid.u32;
	s5 =	sand.u32 $0x10, s5;
	(pc) =	sbr.rel .LBB2_1-.Ltmp0, $4  }
0x6: {  	p0 =	por $0x0, $0x0;
	s3 =	sadd.s32 $0x2C00, s2;
	s6 =	sor.u32 s1, s5  }
0x7: {  	[sflag:s4] =	ssyncpa.u1 $0x0;
	s5 =	simm.s32 $0x2;
	s6 =	sshll.u32 s6, $0x9  }
0x8: {  	s7 =	sadd.s32 $0x2E8400, s2;
	[sflag:s5] =	ssyncpa.u1 $0x0;
	s8 =	sadd.s32 $0x200, s6  }
0x9: {  	vm0 =	vmmov $0xff;
	vm1 =	vcmask $0x3F20;
	[sflag:s9] =	ssyncpa.u1 $0x0;
	s10 =	smov.u32 s6;
	s9 =	simm.s32 $0x0  }
.LBB2_7:
0xa: {  	p1 =	slt.u32 s9, $0x2;
	s11 =	sadd.s32 $0x100, s10  }
0xb: {  	s13 =	smov.u32 s6;
	s9 =	sadd.s32 $0x1, s9;
	p2 =	slt.s32 s11, s8  }
0xc: {  	s13 =	smov.u32 @p2 s11;
	p2 =	sne.s32 s9, $0x4  }
.Ltmp1:
0xd: {  	_ = 	snop;
	(pc) =	sbr.rel @!p2 .LBB2_8-.Ltmp1, $4  }
0xe: {  	s12 =	simm.s32 @!p1 $0x3  }
0xf: {  	_ =	swait.ge @!p1 [sflag:s12], $0x8000  }
0x10: {  	p0 =	por !p0, !p0;
	[sflag:s12] =	ssyncset.done @!p1 $0x0  }
0x11: {  	s11 =	smov.u32 s10;
	s10 =	smov.u32 s13;
	[sflag:s12] =	ssyncadd.s32 @!p1 $0xFFFF8000  }
.LBB2_1:
0x12: {  	p1 =	sgt.u32 s9, $0x1  }
0x13: {  	s12 =	sshll.u32 @!p1 s9, $0x8;
	s13 =	sshrl.u32 @!p1 s10, $0x3  }
0x14: {  	s14 =	sand.u32 @!p1 $0x7, s10;
	s12 =	sxor.u32 @!p1 $0x100, s12;
	s13 =	sadd.s32 @!p1 s2, s13  }
0x15: {  	[tilespmem:s12], [sflag:$0x2] =	stream.linear.gather @!p1 [hbm4b:s13+s14], $0x100, $0x38;
	[tilespmem:$0x10200] =	vst v63  }
0x16: {  	p1 =	seq.s32 s9, $0x0  }
0x17: {  	p2 =	seq.s32 @!p1 s9, $0x3  }
0x18: {  	p1 =	por p1, p2  }
.Ltmp2:
0x19: {  	_ = 	snop;
	(pc) =	sbr.rel @p1 .LBB2_7-.Ltmp2, $1  }
0x1a: {  	_ =	sdelay $0x3  }
0x1b: {  	s12 =	simm.s32 $0x1  }
0x1c: {  	_ =	swait.ge [sflag:s5], $0x100;
	s12 =	simm.s32 @!p0 $0x0  }
0x1d: {  	[sflag:s5] =	ssyncset.done $0x0;
	s14 =	sshll.u32 s12, $0x8  }
0x1e: {  	[sflag:s5] =	ssyncadd.s32 $0xFFFFFF00;
	s13 =	sadd.s32 $0x0, s14  }
0x1f: {  	v0 =	vld.msk [tilespmem:s13+$0x0 ss:$0x1], $0xffff;
	_ =	sdelay $0x4  }
0x20: {  	vm2 =	vgt.s32 v0, $0x0  }
0x21: {  	v0 =	vnsel vm2, $0x0, v0  }
0x22: {  	v0 =	vmin.u32 v0, $0x3FFF  }
0x23: {  	v0 =	vshll.u32 v0, $0x4;
	_ =	sdelay $0x2  }
0x24: {  	s12 =	sshll.u32 s12, $0xF  }
0x25: {  	s12 =	sor.u32 $0x200, s12  }
0x26: {  	[tilespmem:s12], [sflag:$0x1] =	stream.indirect_vreg.gather [hbm:s3], $0x80, v0, vm0, $0x38;
	[tilespmem:$0x10200] =	vst v63  }
0x27: {  	s15 =	sadd.s32 $0x10, s14;
	s13 =	sadd.s32 $0x400, s12  }
0x28: {  	[tilespmem:s13], [sflag:$0x1] =	stream.indirect_vreg.gather [hbm:s3], $0x80, v0, vm1, $0x38;
	[tilespmem:$0x10200] =	vst v63  }
0x29: {  	s16 =	simm.s32 $0x80;
	v0 =	vld.msk [tilespmem:s15+$0x0 ss:$0x1], $0xffff;
	s15 =	smov.u32 s12  }
.LBB2_3:
0x2a: {  	p1 =	sne.s32 s16, $0x3C0;
	_ =	sdelay $0x4  }
0x2b: {  	vm2 =	vgt.s32 v0, $0x0  }
0x2c: {  	v0 =	vnsel vm2, $0x0, v0  }
0x2d: {  	v0 =	vmin.u32 v0, $0x3FFF  }
0x2e: {  	v0 =	vshll.u32 v0, $0x4;
	_ =	sdelay $0x3  }
.Ltmp3:
0x2f: {  	s17 =	sshra.s32 s16, $0x2;
	s15 =	sadd.s32 $0x800, s15;
	(pc) =	sbr.rel @p1 .LBB2_3-.Ltmp3, $4  }
0x30: {  	[tilespmem:s15], [sflag:$0x1] =	stream.indirect_vreg.gather [hbm:s3], $0x80, v0, vm0, $0x38;
	[tilespmem:$0x10200] =	vst v63  }
0x31: {  	s17 =	sadd.s32 s17, s14;
	s18 =	sadd.s32 $0x400, s15  }
0x32: {  	[tilespmem:s18], [sflag:$0x1] =	stream.indirect_vreg.gather [hbm:s3], $0x80, v0, vm1, $0x38;
	[tilespmem:$0x10200] =	vst v63  }
0x33: {  	s16 =	sadd.s32 $0x40, s16;
	v0 =	vld.msk [tilespmem:s17+$0x0 ss:$0x1], $0xffff  }
0x34: {  	_ =	sdelay $0x3  }
0x35: {  	vm2 =	vgt.s32 v0, $0x0  }
0x36: {  	v0 =	vnsel vm2, $0x0, v0  }
0x37: {  	v0 =	vmin.u32 v0, $0x3FFF  }
0x38: {  	v0 =	vshll.u32 v0, $0x4;
	_ =	sdelay $0x3  }
0x39: {  	s14 =	sadd.s32 $0x800, s15  }
0x3a: {  	[tilespmem:s14], [sflag:$0x1] =	stream.indirect_vreg.gather [hbm:s3], $0x80, v0, vm0, $0x38;
	[tilespmem:$0x10200] =	vst v63  }
0x3b: {  	s14 =	sadd.s32 $0x400, s14  }
0x3c: {  	[tilespmem:s14], [sflag:$0x1] =	stream.indirect_vreg.gather [hbm:s3], $0x80, v0, vm1, $0x38;
	[tilespmem:$0x10200] =	vst v63  }
0x3d: {  	s11 =	sshll.u32 s11, $0x4;
	_ =	swait.ge [sflag:s4], $0x8000  }
0x3e: {  	s11 =	sadd.s32 s11, s7;
	[sflag:s4] =	ssyncset.done $0x0  }
0x3f: {  	s15 =	sadd.s32 $0x0, s11;
	s14 =	simm.s32 $0x80;
	[sflag:s4] =	ssyncadd.s32 $0xFFFF8000  }
.LBB2_5:
0x40: {  	[hbm:s15] =	stream.linear.scatter [tilespmem:s12], [sflag:$0x3], $0x400, $0x38;
	[tilespmem:$0x10200] =	vst v63  }
0x41: {  	s15 =	smov.u32 s14;
	s12 =	smov.u32 s13;
	p1 =	sne.s32 s14, $0xF80  }
.Ltmp4:
0x42: {  	s14 =	sadd.s32 $0x80, s14;
	(pc) =	sbr.rel @p1 .LBB2_5-.Ltmp4, $2  }
0x43: {  	_ =	sdelay $0x2  }
0x44: {  	s13 =	sadd.s32 $0x400, s13;
	s15 =	sadd.s32 s15, s11  }
.Ltmp5:
0x45: {  	(pc) =	sbr.rel .LBB2_7-.Ltmp5, $2  }
0x46: {  	_ =	sdelay $0x2  }
0x47: {  	[hbm:s15] =	stream.linear.scatter [tilespmem:s12], [sflag:$0x3], $0x400, $0x38;
	[tilespmem:$0x10200] =	vst v63  }
.LBB2_8:
0x48: {  	_ =	sfence.sel $0x180000  }
0x49: {  	s2 =	simm.s32 $0x2;
	[bflag:$0x0] =	sbarrier.arrive $0xFFFF  }
0x4a: {  	s30 =	simm.s32 $0x3;
	[sflag:s2] =	ssyncpa.u1 $0x1  }
0x4b: {  	s31 =	simm.s32 $0x1;
	[sflag:s30] =	ssyncpa.u1 $0x1  }
0x4c: {  	[sflag:s31] =	ssyncpa.u1 $0x1  }
0x4d: {  	p0 =	sne.s32 s1, $0x0;
	_ =	strace $0x9000004D  }
0x4e: {  	s0 =	sadd.s32 @!p0 $0x100000, s0;
	[bflag:$0x2] =	sbarrier.arrive $0xFFFF  }
0x4f: {  	[sflag:s0] =	ssyncadd.tile.s32 @!p0 $0x1;
	_ =	shalt  }
.Lfunc_end2:
_tile_overlayer_lowered:
.L_overlay_start_2:
0x50: {  	(tag) =	ssettag $0x2  }
0x51: {  	s0 =	rddreg [dreg:$0x0];
	s2 =	stileid.u32  }
0x52: {  	s1 =	rddreg [dreg:$0x1];
	p0 =	sne.s32 s2, $0x0  }
0x53: {  	s3 =	rddreg [dreg:$0x2];
	[bflag:$0x3] =	sbarrier.arrive $0xFFFF;
	s2 =	simm.s32 @!p0 $0x1C01  }
0x54: {  	[timem:s3], [sflag:s2] =	dma.local @!p0 [hbm:s0], s1  }
0x55: {  	s0 =	simm.s32 @!p0 $0x1  }
0x56: {  	_ =	swait.ge @!p0 [sflag:s0], s1  }
0x57: {  	s1 =	ssub.s32 @!p0 $0x0, s1;
	[sflag:s0] =	ssyncset.done @!p0 $0x0  }
0x58: {  	[sflag:s0] =	ssyncadd.s32 @!p0 s1  }
0x59: {  	[bflag:$0x3] =	sbarrier.arrive $0xFFFF  }
0x5a: {  	_ =	shalt  }

// kernel: scatter_offload_async_start
scs
__scs_entry_jumppad:
0x0: {  	(pc) =	sbr.rel $0x88, $3  }
0x1: {  	(tag) =	ssettag $0x0;
	lr =	simm.s32 $0x1  }
0x2: {  	[smem:$0x3F9E] =	sst lr;
	_ =	strace $0xD0000000  }
0x3: {  	_ = 	snop  }
0x4: {  	_ = 	snop  }
0x5: {  	_ = 	snop  }
0x6: {  	_ = 	snop  }
0x7: {  	_ = 	snop  }
__scs_overlays_trampoline_lowered:
0x8: {  	[smem:$0x3FAD] =	sst s0  }
0x9: {  	[smem:$0x3FAE] =	sst s1  }
0xa: {  	[smem:$0x3FAF] =	sst s2  }
0xb: {  	[smem:$0x3FB0] =	sst s3  }
0xc: {  	[smem:$0x3FB1] =	sst s4  }
0xd: {  	[smem:$0x3FB2] =	sst s5  }
0xe: {  	[smem:$0x3FB3] =	sst s6  }
0xf: {  	[smem:$0x3FB4] =	sst s7  }
0x10: {  	[smem:$0x3FB5] =	sst s8  }
0x11: {  	[smem:$0x3FB6] =	sst s9;
	s0 =	simm.s32 @!p0 $0x0  }
0x12: {  	s1 =	sld [smem:$0x3F9C];
	s0 =	simm.s32 @p0 $0x1  }
0x13: {  	[smem:$0x3FB7] =	sst s0;
	s0 =	simm.s32 @!p1 $0x0  }
0x14: {  	s2 =	sld [smem:$0x3F9B];
	s0 =	simm.s32 @p1 $0x1  }
0x15: {  	[smem:$0x3FB8] =	sst s0;
	s0 =	simm.s32 @!p2 $0x0  }
0x16: {  	s3 =	sld [smem:$0x3FDB];
	s0 =	simm.s32 @p2 $0x1  }
0x17: {  	s4 =	simm.s32 $0x1BF5;
	[smem:$0x3FBA] =	sst s0  }
0x18: {  	s0 =	sld [smem:$0x3F9D];
	_ =	swait.ge [sflag:s4], $0x0  }
0x19: {  	s7 =	sld [smem:$0x3F9E]  }
0x1a: {  	s8 =	sadd.s32 $0xFFFFE003, lr  }
0x1b: {  	s9 =	sadd.s32 $0xFFFFFEF7, lr;
	s5 =	simm.s32 $0xFFFFFFFF;
	p2 =	slt.u32 s8, $0xFFFFF086  }
0x1c: {  	p1 =	slt.u32 s9, $0xF7A;
	s5 =	simm.s32 @!p2 $0x0  }
0x1d: {  	s5 =	simm.s32 @p1 $0x1;
	p0 =	seq.s32 s7, s2  }
0x1e: {  	s7 =	smul.u32 @!p0 $0xF7A, s2;
	p2 =	seq.s32 @!p0 s5, $0x0  }
0x1f: {  	s9 =	smul.u32 $0xF7A, s1;
	s8 =	simm.s32 @!p0 $0x1BF5;
	p2 =	por !p2, p0  }
0x20: {  	[sflag:s8] =	ssyncset.s32 @!p0 $0xFFFFF086;
	s6 =	sadd.s32 @!p0 s3, s7;
	s7 =	simm.s32 @!p0 $0x108  }
0x21: {  	s3 =	sadd.s32 s3, s9;
	s6 =	sadd.s32 @!p0 $0x88, s6;
	s7 =	simm.s32 @p2 $0x1082  }
0x22: {  	[simem:s7], [sflag:s8] =	dma.local @!p0 [hbm:s6], $0xF7A  }
0x23: {  	s9 =	sor.u32 $0xD0000000, s2;
	s6 =	simm.s32 $0x108;
	_ =	swait.ge @!p0 [sflag:s8], $0x0  }
0x24: {  	s3 =	sadd.s32 $0x88, s3;
	s6 =	simm.s32 @!p1 $0x1082;
	[sflag:s4] =	ssyncset.s32 $0xFFFFF086  }
0x25: {  	[simem:s6], [sflag:s4] =	dma.local [hbm:s3], $0xF7A  }
0x26: {  	[smem:$0x3F9E] =	sst s1;
	(tag) =	ssettag s2;
	_ =	strace s9  }
0x27: {  	s1 =	sld [smem:$0x3FAE]  }
0x28: {  	s2 =	sld [smem:$0x3FAF]  }
0x29: {  	s4 =	sld [smem:$0x3FB1]  }
0x2a: {  	p0 =	seq.s32 s5, $0x0;
	s5 =	sld [smem:$0x3FB2]  }
0x2b: {  	s6 =	sld [smem:$0x3FB3]  }
0x2c: {  	s7 =	sld [smem:$0x3FB4]  }
0x2d: {  	s3 =	simm.s32 $0x108;
	s8 =	sld [smem:$0x3FB5]  }
0x2e: {  	s3 =	simm.s32 @!p0 $0x1082;
	s9 =	sld [smem:$0x3FB6]  }
0x2f: {  	lr =	sadd.s32 s0, s3;
	s0 =	sld [smem:$0x3FAD]  }
0x30: {  	s3 =	sld [smem:$0x3FB0]  }
0x31: {  	[smem:$0x3FB9] =	sst s10  }
0x32: {  	s10 =	sld [smem:$0x3FB7];
	_ =	sdelay $0x3  }
0x33: {  	p0 =	seq.s32 s10, $0x1;
	s10 =	sld [smem:$0x3FB9];
	_ =	sdelay $0x3  }
0x34: {  	[smem:$0x3FB9] =	sst s10  }
0x35: {  	s10 =	sld [smem:$0x3FB8];
	_ =	sdelay $0x3  }
0x36: {  	p1 =	seq.s32 s10, $0x1;
	s10 =	sld [smem:$0x3FB9];
	_ =	sdelay $0x3  }
0x37: {  	[smem:$0x3FB9] =	sst s10  }
0x38: {  	s10 =	sld [smem:$0x3FBA]  }
0x39: {  	_ = 	snop;
	(pc) =	sbr.ind lr, $3  }
0x3a: {  	_ = 	snop  }
0x3b: {  	_ = 	snop  }
0x3c: {  	p2 =	seq.s32 s10, $0x1;
	s10 =	sld [smem:$0x3FB9]  }
0x3d: {  	_ =	shalt  }
0x3e: {  	_ =	shalt  }
0x3f: {  	_ =	shalt  }
0x40: {  	_ =	shalt  }
0x41: {  	_ =	shalt  }
0x42: {  	_ =	shalt  }
0x43: {  	_ =	shalt  }
0x44: {  	_ =	shalt  }
0x45: {  	_ =	shalt  }
0x46: {  	_ =	shalt  }
0x47: {  	_ =	shalt  }
0x48: {  	_ =	shalt  }
0x49: {  	_ =	shalt  }
0x4a: {  	_ =	shalt  }
0x4b: {  	_ =	shalt  }
0x4c: {  	_ =	shalt  }
0x4d: {  	_ =	shalt  }
0x4e: {  	_ =	shalt  }
0x4f: {  	_ =	shalt  }
0x50: {  	_ =	shalt  }
0x51: {  	_ =	shalt  }
0x52: {  	_ =	shalt  }
0x53: {  	_ =	shalt  }
0x54: {  	_ =	shalt  }
0x55: {  	_ =	shalt  }
0x56: {  	_ =	shalt  }
0x57: {  	_ =	shalt  }
0x58: {  	_ =	shalt  }
0x59: {  	_ =	shalt  }
0x5a: {  	_ =	shalt  }
0x5b: {  	_ =	shalt  }
0x5c: {  	_ =	shalt  }
0x5d: {  	_ =	shalt  }
0x5e: {  	_ =	shalt  }
0x5f: {  	_ =	shalt  }
0x60: {  	_ =	shalt  }
0x61: {  	_ =	shalt  }
0x62: {  	_ =	shalt  }
0x63: {  	_ =	shalt  }
0x64: {  	_ =	shalt  }
0x65: {  	_ =	shalt  }
0x66: {  	_ =	shalt  }
0x67: {  	_ =	shalt  }
0x68: {  	_ =	shalt  }
0x69: {  	_ =	shalt  }
0x6a: {  	_ =	shalt  }
0x6b: {  	_ =	shalt  }
0x6c: {  	_ =	shalt  }
0x6d: {  	_ =	shalt  }
0x6e: {  	_ =	shalt  }
0x6f: {  	_ =	shalt  }
0x70: {  	_ =	shalt  }
0x71: {  	_ =	shalt  }
0x72: {  	_ =	shalt  }
0x73: {  	_ =	shalt  }
0x74: {  	_ =	shalt  }
0x75: {  	_ =	shalt  }
0x76: {  	_ =	shalt  }
0x77: {  	_ =	shalt  }
0x78: {  	_ =	shalt  }
0x79: {  	_ =	shalt  }
0x7a: {  	_ =	shalt  }
0x7b: {  	_ =	shalt  }
0x7c: {  	_ =	shalt  }
0x7d: {  	_ =	shalt  }
0x7e: {  	_ =	shalt  }
0x7f: {  	_ =	shalt  }
0x80: {  	_ =	shalt  }
0x81: {  	_ =	shalt  }
0x82: {  	_ =	shalt  }
0x83: {  	_ =	shalt  }
0x84: {  	_ =	shalt  }
0x85: {  	_ =	shalt  }
0x86: {  	_ =	shalt  }
0x87: {  	_ =	shalt  }
.Lfunc_end0:
.L_simem_size_0:
called_computation_lowered:
.L_overlay_start_0:
0x88: {  	s0 =	sld [smem:$0x3FD9]  }
0x89: {  	s1 =	sld [smem:$0x3FFE];
	_ =	sdelay $0x3  }
0x8a: {  	s0 =	sadd.s32 s1, s0  }
0x8b: {  	[smem:$0x3FC5] =	sst s0  }
0x8c: {  	_ = 	snop  }
0x8d: {  	s0 =	sld [smem:$0x3FD0];
	_ =	sdelay $0x2  }
0x8e: {  	s13 =	simm.s32 $0xB;
	s2 =	simm.s32 $0x10  }
0x8f: {  	[smem:s2], [sflag:s13] =	dma.local [hbm:s0], $0x1  }
0x90: {  	_ =	swait.eq [sflag:s13], $0x1  }
0x91: {  	[sflag:s13] =	ssyncset.done $0x0  }
0x92: {  	s14 =	sld [smem:$0x10];
	[sflag:s13] =	ssyncadd.s32 $0xFFFFFFFF  }
0x93: {  	s15 =	sld [smem:$0x11];
	(tm) =	ssettm $0x1  }
0x94: {  	s16 =	sld [smem:$0x3FFB];
	_ =	sdelay $0x3  }
0x95: {  	_ =	strace s16  }
0x96: {  	s2 =	sld [smem:$0x3FFC];
	_ =	sdelay $0x3  }
0x97: {  	_ =	strace s2  }
0x98: {  	s2 =	sld [smem:$0x3FFD];
	_ =	sdelay $0x3  }
0x99: {  	_ =	strace s2  }
0x9a: {  	_ =	strace $0x8FFFFFFF  }
0x9b: {  	s17 =	sld [smem:$0x3FDB];
	_ =	sdelay $0x1  }
0x9c: {  	s3 =	simm.s32 $_scs_section_size  }
0x9d: {  	s4 =	simm.s32 $_size__tile_overlayer_lowered;
	s5 =	simm.s32 $_tile_overlayer_lowered  }
0x9e: {  	s20 =	simm.s32 $0x1BFF;
	s19 =	sshll.u32 s5, $0x1;
	s2 =	sadd.s32 s3, s17  }
0x9f: {  	s6 =	simm.s32 $0x0;
	s18 =	sshll.u32 s4, $0x1;
	s4 =	sadd.s32 s19, s2  }
0xa0: {  	[timem:s6], [sflag:s20] =	dma.local [hbm:s4], s18  }
0xa1: {  	_ =	swait.ge [sflag:s20], s18  }
0xa2: {  	s3 =	ssub.s32 $0x0, s18;
	[sflag:s20] =	ssyncset.done $0x0  }
0xa3: {  	[sflag:s20] =	ssyncadd.s32 s3;
	_ =	sdelay $0x1  }
0xa4: {  	s21 =	simm.s32 $0x1B8B  }
0xa5: {  	_ =	swait.ge [sflag:s21], $0x1  }
0xa6: {  	[sflag:s21] =	ssyncset.done $0x0  }
0xa7: {  	s23 =	simm.s32 $0x1B8E;
	s22 =	sld [smem:$0x3FFE];
	[sflag:s21] =	ssyncadd.s32 $0xFFFFFFFF  }
0xa8: {  	s24 =	simm.s32 $execute0_lowered;
	[smem:$0x3FD2] =	sst s23  }
0xa9: {  	s4 =	sshll.u32 s24, $0x1;
	_ =	strace $0x80000046;
	[dreg:$0x1] =	wrdreg $0xFFFFFFFF  }
0xaa: {  	s25 =	simm.s32 $_size_execute0_lowered;
	s2 =	sadd.s32 s2, s4;
	[dreg:$0x0] =	wrdreg $0x0  }
0xab: {  	s4 =	sshll.u32 s25, $0x1;
	[dreg:$0x2] =	wrdreg s2  }
0xac: {  	[dreg:$0x3] =	wrdreg s4  }
0xad: {  	[dreg:$0x4] =	wrdreg $0xC0  }
0xae: {  	_ =	task [dreg:s6], $0x5FFFF  }
0xaf: {  	[dreg:$0x1] =	wrdreg $0xFFFFFFFF  }
0xb0: {  	[dreg:$0x0] =	wrdreg $0x60  }
0xb1: {  	[dreg:$0x2] =	wrdreg s22  }
0xb2: {  	[dreg:$0x3] =	wrdreg s15  }
0xb3: {  	[dreg:$0x4] =	wrdreg s14  }
0xb4: {  	[dreg:$0x5] =	wrdreg $0x9  }
0xb5: {  	_ =	task.clear_ibuf [dreg:s6], $0x6FFFF;
	_ =	strace $0x90000046  }
0xb6: {  	s26 =	simm.s32 $0x9;
	_ =	strace $0x80000048  }
0xb7: {  	_ =	swait.ge [sflag:s26], $0x1  }
0xb8: {  	[sflag:s26] =	ssyncadd.s32 $0xFFFFFFFF  }
0xb9: {  	_ =	strace $0x90000048  }
0xba: {  	_ =	sfence  }
0xbb: {  	s28 =	sld [smem:$0x0];
	_ =	sdelay $0x1  }
0xbc: {  	s29 =	srdreg.scid  }
0xbd: {  	s30 =	sshll.u32 s29, $0xD;
	s31 =	sshrl.u32 s29, $0x2  }
0xbe: {  	s1 =	sand.u32 $0x1, s29;
	s2 =	sand.u32 $0x4000, s30;
	s0 =	sadd.s32 s31, s28  }
0xbf: {  	s1 =	sor.u32 s2, s1;
	s0 =	sshll.u32 s0, $0x11  }
0xc0: {  	s0 =	sor.u32 s0, s1  }
0xc1: {  	s0 =	sadd.s32 $0x8F2B, s0  }
0xc2: {  	[sflag:s0] =	ssyncadd.remote.s32 $0x1  }
0xc3: {  	_ =	sfence.sel $0xFFFF  }
0xc4: {  	[dreg:$0x0] =	wrdreg $0xFFFFFFFF;
	(pc) =	sbr.abs _section_cstart, $3  }
0xc5: {  	[dreg:$0x1] =	wrdreg $0xFFFFFFFF  }
0xc6: {  	_ =	task.clear_ibuf [dreg:s6], $0x2FFFF;
	_ =	strace $0x9FFFFFFF  }
0xc7: {  	(tm) =	ssettm $0x7FFFFFFF  }
tec
execute0_lowered:
.L_overlay_start_1:
0x0: {  	(tag) =	ssettag $0x1  }
0x1: {  	s1 =	rddreg [dreg:$0x0]  }
0x2: {  	s2 =	rddreg [dreg:$0x1]  }
0x3: {  	s3 =	rddreg [dreg:$0x2]  }
0x4: {  	s0 =	rddreg [dreg:$0x3];
	_ =	strace $0x80000047;
	s4 =	stileid.u32  }
0x5: {  	s5 =	simm.s32 $0x3E;
	s1 =	sadd.s32 $0x1DA000, s1;
	p0 =	sne.s32 s4, $0x0  }
0x6: {  	[sflag:s5] =	ssyncpa.u1 $0x0;
	s6 =	simm.s32 @!p0 $0x1C3E;
	s7 =	simm.s32 @!p0 $0x0  }
0x7: {  	[spmem:s7], [sflag:s6] =	dma.local @!p0 [hbm:s1], $0x100  }
0x8: {  	s6 =	simm.s32 @!p0 $0x3E  }
0x9: {  	_ =	swait.ge @!p0 [sflag:s6], $0x100  }
0xa: {  	[sflag:s6] =	ssyncset.done @!p0 $0x0  }
0xb: {  	[sflag:s6] =	ssyncadd.s32 @!p0 $0xFFFFFF00  }
0xc: {  	s28 =	simm.s32 $0x1;
	[bflag:$0x0] =	sbarrier.arrive $0xFFFF  }
0xd: {  	s29 =	simm.s32 $0x2;
	s4 =	sshll.u32 s4, $0x7;
	[sflag:s5] =	ssyncpa.u1 $0x1  }
0xe: {  	s31 =	simm.s32 $0x480;
	s30 =	sadd.s32 s2, s4;
	[sflag:s28] =	ssyncpa.u1 $0x0  }
0xf: {  	s2 =	simm.s32 $0x0;
	(ifvalue) =	ssetifvalue $0x800;
	[sflag:s29] =	ssyncpa.u1 $0x0  }
0x10: {  	[tilespmem:s31], [sflag:$0x2] =	stream.linear.gather [hbm4b:s30+s2], $0x400, $0x38;
	[tilespmem:$0x1080] =	vst v63  }
0x11: {  	s4 =	sadd.s32 s3, s4;
	s3 =	simm.s32 $0xC80  }
0x12: {  	[tilespmem:s3], [sflag:$0x2] =	stream.linear.gather [hbm4b:s4+s2], $0x400, $0x38;
	[tilespmem:$0x1080] =	vst v63  }
0x13: {  	_ =	swait.ge [sflag:s29], $0x800  }
0x14: {  	[sflag:s29] =	ssyncset.done $0x0  }
0x15: {  	[sflag:s29] =	ssyncadd.s32 $0xFFFFF800  }
0x16: {  	v0 =	vld.msk [tilespmem:s31+$0x0 ss:$0x1], $0xffff;
	_ =	sdelay $0x4  }
0x17: {  	v0 =	vmin.u32 v0, $0x800;
	_ =	sdelay $0x3  }
0x18: {  	vm0 =	vmmov $0xffff;
	s5 =	simm.s32 $0x490;
	s4 =	simm.s32 $0x0  }
0x19: {  	[spmem:s2] =	stream.indirect_vreg.scatter.add.s32 [tilespmem:s3], [sflag:$0x1], $0x1, v0, vm0, $0x4038;
	[tilespmem:$0x1080] =	vst v63  }
.LBB2_1:
0x1a: {  	v0 =	vld.msk [tilespmem:s5+$0x0 ss:$0x1], $0xffff;
	s4 =	sadd.s32 $0x10, s4  }
0x1b: {  	p1 =	slt.u32 s4, $0x3F0;
	_ =	sdelay $0x4  }
0x1c: {  	v0 =	vmin.u32 v0, $0x800  }
.Ltmp0:
0x1d: {  	(pc) =	sbr.rel @p1 .LBB2_1-.Ltmp0, $3  }
0x1e: {  	_ =	sdelay $0x1  }
0x1f: {  	s5 =	sadd.s32 $0x10, s5;
	s3 =	sadd.s32 $0x10, s3  }
0x20: {  	[spmem:s2] =	stream.indirect_vreg.scatter.add.s32 [tilespmem:s3], [sflag:$0x1], $0x1, v0, vm0, $0x4038;
	[tilespmem:$0x1080] =	vst v63  }
0x21: {  	s2 =	simm.s32 $0x1  }
0x22: {  	_ =	swait.ge [sflag:s2], $0x400  }
0x23: {  	[sflag:s2] =	ssyncset.done $0x0  }
0x24: {  	[sflag:s2] =	ssyncadd.s32 $0xFFFFFC00  }
0x25: {  	_ =	sfence.sel $0x180000  }
0x26: {  	s3 =	simm.s32 $0x2;
	[bflag:$0x0] =	sbarrier.arrive $0xFFFF  }
0x27: {  	[sflag:s3] =	ssyncpa.u1 $0x1  }
0x28: {  	[sflag:s2] =	ssyncpa.u1 $0x1  }
0x29: {  	_ =	sfence.stream.spmem  }
0x2a: {  	s31 =	simm.s32 $0x3D;
	[bflag:$0x0] =	sbarrier.arrive $0xFFFF  }
0x2b: {  	s2 =	simm.s32 @p0 $0x3D;
	[sflag:s31] =	ssyncpa.u1 $0x0  }
0x2c: {  	[sflag:s2] =	ssyncpa.u1 @p0 $0x1  }
0x2d: {  	[bflag:$0x0] =	sbarrier.arrive @p0 $0xFFFF  }
0x2e: {  	_ =	strace @p0 $0x90000047  }
0x2f: {  	s3 =	simm.s32 @!p0 $0x1C3D;
	s2 =	simm.s32 @!p0 $0x0;
	[bflag:$0x2] =	sbarrier.arrive @p0 $0xFFFF  }
0x30: {  	[hbm:s1], [sflag:s3] =	dma.local @!p0 [spmem:s2], $0x100  }
0x31: {  	s1 =	simm.s32 @!p0 $0x3D  }
0x32: {  	_ =	swait.ge @!p0 [sflag:s1], $0x100  }
0x33: {  	[sflag:s1] =	ssyncset.done @!p0 $0x0  }
0x34: {  	[sflag:s1] =	ssyncadd.s32 @!p0 $0xFFFFFF00  }
0x35: {  	[sflag:s1] =	ssyncpa.u1 @!p0 $0x1  }
0x36: {  	[bflag:$0x0] =	sbarrier.arrive @!p0 $0xFFFF  }
0x37: {  	_ =	strace @!p0 $0x90000047  }
0x38: {  	s0 =	sadd.s32 @!p0 $0x100000, s0;
	[bflag:$0x2] =	sbarrier.arrive @!p0 $0xFFFF  }
0x39: {  	[sflag:s0] =	ssyncadd.tile.s32 @!p0 $0x1;
	_ =	shalt  }
.Lfunc_end2:
_tile_overlayer_lowered:
.L_overlay_start_2:
0x3a: {  	(tag) =	ssettag $0x2  }
0x3b: {  	s0 =	rddreg [dreg:$0x0];
	s2 =	stileid.u32  }
0x3c: {  	s1 =	rddreg [dreg:$0x1];
	p0 =	sne.s32 s2, $0x0  }
0x3d: {  	s3 =	rddreg [dreg:$0x2];
	[bflag:$0x3] =	sbarrier.arrive $0xFFFF;
	s2 =	simm.s32 @!p0 $0x1C01  }
0x3e: {  	[timem:s3], [sflag:s2] =	dma.local @!p0 [hbm:s0], s1  }
0x3f: {  	s0 =	simm.s32 @!p0 $0x1  }
0x40: {  	_ =	swait.ge @!p0 [sflag:s0], s1  }
0x41: {  	s1 =	ssub.s32 @!p0 $0x0, s1;
	[sflag:s0] =	ssyncset.done @!p0 $0x0  }
0x42: {  	[sflag:s0] =	ssyncadd.s32 @!p0 s1  }
0x43: {  	[bflag:$0x3] =	sbarrier.arrive $0xFFFF  }
0x44: {  	_ =	shalt  }

</sc_bundles>
